<compile_context>
chip_gen: v7x
topology: tpu7x:2x2x1
jax: 0.10.2.dev20260603
libtpu: 0.0.44.dev20260713+nightly
codegen_flags: <defaults>
</compile_context>

<pallas_src>
import functools

import jax
import jax.numpy as jnp
from jax import lax
from jax.experimental import pallas as pl
from jax.experimental.pallas import tpu as pltpu
from jax.experimental.pallas import tpu_sc as plsc

N_NODES = 10000
D = 16
WINDOW = 128
NUM_TILES = 32
BE = 4096

@functools.cache
def _mesh():
    return plsc.VectorSubcoreMesh(core_axis_name="core", subcore_axis_name="subcore")


_SC_PARAMS = pltpu.CompilerParams(use_tc_tiling_on_sc=False)


NGRP = 8


def _gather_src(x, idx_row, e_pad):

    @functools.partial(
        pl.kernel,
        out_type=jax.ShapeDtypeStruct((e_pad, D), jnp.float32),
        mesh=_mesh(),
        compiler_params=_SC_PARAMS,
    )
    def k(x_hbm, i_hbm, o_hbm):
        def body(i_vmem, o_vmem):
            pltpu.sync_copy(x_hbm.at[i_vmem.at[0]], o_vmem)

        pltpu.emit_pipeline(
            body,
            grid=(e_pad // WINDOW,),
            in_specs=[pl.BlockSpec((1, WINDOW), lambda i: (0, i))],
            out_specs=[pl.BlockSpec((WINDOW, D), lambda i: (i, 0))],
            core_axis_name=("core", "subcore"),
            dimension_semantics=(pltpu.PARALLEL,),
        )(i_hbm, o_hbm)

    return k(x, idx_row)


def _dense_messages(ef, src, w, vfull, e_pad):

    def body(ef_ref, src_ref, w_ref, wmat_ref, b_ref, red_ref, til_ref, o_ref):
        t = jnp.dot(ef_ref[...], wmat_ref[...], preferred_element_type=jnp.float32,
                    precision=lax.Precision.DEFAULT) + b_ref[...]
        srcw = src_ref[...] * w_ref[...]
        til = jnp.dot(srcw, til_ref[...], preferred_element_type=jnp.float32,
                      precision=lax.Precision.DEFAULT)
        prod = t * til
        o_ref[...] = jnp.dot(prod, red_ref[...], preferred_element_type=jnp.float32,
                             precision=lax.Precision.DEFAULT)

    grid = (e_pad // BE,)
    return pl.pallas_call(
        body,
        grid=grid,
        in_specs=[
            pl.BlockSpec((BE, D), lambda i: (i, 0)),
            pl.BlockSpec((BE, D), lambda i: (i, 0)),
            pl.BlockSpec((BE, 1), lambda i: (i, 0)),
            pl.BlockSpec((D, D * D), lambda i: (0, 0)),
            pl.BlockSpec((1, D * D), lambda i: (0, 0)),
            pl.BlockSpec((D * D, D), lambda i: (0, 0)),
            pl.BlockSpec((D, D * D), lambda i: (0, 0)),
        ],
        out_specs=pl.BlockSpec((BE, D), lambda i: (i, 0)),
        out_shape=jax.ShapeDtypeStruct((e_pad, D), jnp.float32),
    )(ef, src, w, vfull[0], vfull[1], vfull[2], vfull[3])


def _scatter_add(msg, idx_row, zeros_nd, e_pad):

    @functools.partial(
        pl.kernel,
        out_type=jax.ShapeDtypeStruct((2, N_NODES, D), jnp.float32),
        mesh=_mesh(),
        scratch_types=[pltpu.VMEM_SHARED((N_NODES, D), jnp.float32)],
        compiler_params=_SC_PARAMS,
    )
    def k(m_hbm, i_hbm, z_hbm, o_hbm, acc):
        c = lax.axis_index("core")
        s = lax.axis_index("subcore")

        @pl.when(s == 0)
        def _():
            pltpu.sync_copy(z_hbm, acc)

        plsc.subcore_barrier()

        def body(m_vmem, i_vmem):
            pltpu.sync_copy(m_vmem, acc.at[i_vmem.at[0]], add=True)

        pltpu.emit_pipeline(
            body,
            grid=(e_pad // WINDOW,),
            in_specs=[
                pl.BlockSpec((WINDOW, D), lambda i: (i, 0)),
                pl.BlockSpec((1, WINDOW), lambda i: (0, i)),
            ],
            out_specs=[],
            core_axis_name=("core", "subcore"),
            dimension_semantics=(pltpu.PARALLEL,),
        )(m_hbm, i_hbm)

        plsc.subcore_barrier()
        rows = N_NODES // 16
        pltpu.sync_copy(acc.at[pl.ds(s * rows, rows)],
                        o_hbm.at[c].at[pl.ds(s * rows, rows)])

    return k(msg, idx_row, zeros_nd)


def _combine_relu(partials):
    def body(p_ref, o_ref):
        o_ref[...] = jnp.maximum(p_ref[0] + p_ref[1], 0.0)

    return pl.pallas_call(
        body,
        out_shape=jax.ShapeDtypeStruct((N_NODES, D), jnp.float32),
    )(partials)


def kernel(x, edge_list, edge_feature, edge_weight, W_edge, b_edge):
    e = edge_list.shape[0]
    e_pad = ((e + NUM_TILES * WINDOW - 1) // (NUM_TILES * WINDOW)) * (NUM_TILES * WINDOW)
    pad = e_pad - e

    node_in = jnp.pad(edge_list[:, 0].astype(jnp.int32), (0, pad))
    node_out = jnp.pad(edge_list[:, 1].astype(jnp.int32), (0, pad))
    ef = jnp.pad(edge_feature.astype(jnp.float32), ((0, pad), (0, 0)))
    w = jnp.pad(edge_weight.astype(jnp.float32), (0, pad))[:, None]

    red = jnp.repeat(jnp.eye(D, dtype=jnp.float32), D, axis=0)
    tilm = jnp.tile(jnp.eye(D, dtype=jnp.float32), (1, D))
    vfull = (W_edge.astype(jnp.float32), b_edge.astype(jnp.float32)[None, :], red, tilm)

    src = _gather_src(x.astype(jnp.float32), node_in[None, :], e_pad)
    msg = _dense_messages(ef, src, w, vfull, e_pad)
    partials = _scatter_add(msg, node_out[None, :], jnp.zeros((N_NODES, D), jnp.float32), e_pad)
    return _combine_relu(partials)

# --- scband reference (transcript-rebuilt; emitter-appended) ---
"""Pipeline reference for scband-message-passing-7645041787186 (READ-ONLY COPY).

The authoritative reference and input builder live on the scoring server;
editing this copy changes nothing except your own understanding.
"""

import jax, jax.numpy as jnp
import numpy as np

N_NODES = 10000
N_EDGES = 320000
D = 16
D_EDGE = 16


def setup_inputs(seed: int = 0) -> dict:
    key = jax.random.key(seed)
    k1, k2, k3, k4, k5 = jax.random.split(key, 5)
    x = jax.random.normal(k1, (N_NODES, D), dtype=jnp.float32)
    edge_list = jax.random.randint(k2, (N_EDGES, 2), 0, N_NODES, dtype=jnp.int64)
    edge_feature = jax.random.normal(k3, (N_EDGES, D_EDGE), dtype=jnp.float32)
    edge_weight = jax.random.uniform(k4, (N_EDGES,), dtype=jnp.float32)
    # edge MLP: single linear layer edge_input_dim -> input_dim * input_dim (hidden_dims=None)
    W_edge = jax.random.normal(k5, (D_EDGE, D * D), dtype=jnp.float32) * 0.05
    b_edge = jnp.zeros((D * D,), dtype=jnp.float32)
    return {"x": x, "edge_list": edge_list, "edge_feature": edge_feature,
            "edge_weight": edge_weight, "W_edge": W_edge, "b_edge": b_edge}


def reference(x, edge_list, edge_feature, edge_weight, W_edge, b_edge):
    d = x.shape[1]
    num_node = x.shape[0]
    node_in = edge_list[:, 0]
    node_out = edge_list[:, 1]
    # message: edge network produces a per-edge [d, d] transform applied to source node features
    transform = (edge_feature.astype(jnp.float32) @ W_edge + b_edge).reshape(-1, d, d)
    src = jnp.take(x, node_in, axis=0)
    message = jnp.einsum('bed,bd->be', transform, src)
    # aggregate: weighted scatter-add onto destination nodes
    update = jax.ops.segment_sum(message * edge_weight[:, None], node_out, num_segments=num_node)
    # combine: batch_norm=None, activation=relu
    output = jax.nn.relu(update)
    return output

if __name__ == "__main__":
    import jax
    _d = setup_inputs()
    print(jax.jit(kernel)(*tuple(_d.values())))

</pallas_src>

<mosaic_0001>
#map = affine_map<(d0, d1) -> (0, 0)>
#map1 = affine_map<(d0, d1) -> (0, 0, 0)>
module attributes {stable_mosaic.version = 14 : i64} {
  func.func @k(%arg0: i32, %arg1: i32, %arg2: memref<323584x16xf32, #tpu.memory_space<hbm>>, %arg3: memref<1x323584xi32, #tpu.memory_space<hbm>>, %arg4: memref<10000x16xf32, #tpu.memory_space<hbm>>, %arg5: memref<2x10000x16xf32, #tpu.memory_space<hbm>>, %arg6: memref<10000x16xf32, #tpu.memory_space<vmem_shared>>) attributes {dimension_semantics = [#tpu.dimension_semantics<core_parallel>, #tpu.dimension_semantics<subcore_parallel>], iteration_bounds = array<i64: 2, 16>, scalar_prefetch = 0 : i64, scratch_operands = 1 : i64, tpu.core_type = #tpu.core_type<sc_vector_subcore>, window_params = [{transform_indices = #map}, {transform_indices = #map}, {transform_indices = #map}, {transform_indices = #map1}]} {
    %eq3A = arith.constant 0 : i32
    %eq3A_0 = arith.cmpi eq, %arg1, %eq3A : i32
    %convert_element_type3A = arith.extui %eq3A_0 : i1 to i32
    %cond3A = arith.constant 0 : i32
    %cond3A_1 = arith.cmpi ne, %convert_element_type3A, %cond3A : i32
    scf.if %cond3A_1 {
      "tpu.region"() ({
        %run_scoped3A = tpu.sem_alloc : memref<!tpu.dma_semaphore, #tpu.memory_space<semaphore_mem>>
        tpu.enqueue_dma source(%arg4 : memref<10000x16xf32, #tpu.memory_space<hbm>>) target(%arg6 : memref<10000x16xf32, #tpu.memory_space<vmem_shared>>) target_semaphore(%run_scoped3A : memref<!tpu.dma_semaphore, #tpu.memory_space<semaphore_mem>>)
        tpu.wait_dma2 semaphore(%run_scoped3A : memref<!tpu.dma_semaphore, #tpu.memory_space<semaphore_mem>>) src(%arg4 : memref<10000x16xf32, #tpu.memory_space<hbm>>) dst(%arg6 : memref<10000x16xf32, #tpu.memory_space<vmem_shared>>)
        tpu.yield
      }) : () -> ()
    } else {
    }
    %barrier3A = arith.constant 0 : index
    tpu.barrier barrier_id(%barrier3A)
    %mul3A = arith.constant 1 : i32
    %mul3A_2 = arith.muli %arg1, %mul3A : i32
    %add3A = arith.constant 0 : i32
    %add3A_3 = arith.addi %add3A, %mul3A_2 : i32
    %mul3A_4 = arith.constant 16 : i32
    %mul3A_5 = arith.muli %arg0, %mul3A_4 : i32
    %add3A_6 = arith.addi %add3A_3, %mul3A_5 : i32
    %mul3A_7 = arith.constant 79 : i32
    %mul3A_8 = arith.muli %add3A_6, %mul3A_7 : i32
    "tpu.region"() ({
      %run_scoped3A = memref.alloca() : memref<2x128x16xf32, #tpu.memory_space<vmem>>
      %run_scoped3A_14 = tpu.sem_alloc : memref<2x!tpu.dma_semaphore, #tpu.memory_space<semaphore_mem>>
      %run_scoped3A_15 = memref.alloca() : memref<2x1x128xi32, #tpu.memory_space<vmem>>
      %run_scoped3A_16 = tpu.sem_alloc : memref<2x!tpu.dma_semaphore, #tpu.memory_space<semaphore_mem>>
      %add3A_17 = arith.constant 0 : i32
      %add3A_18 = arith.addi %add3A_17, %mul3A_8 : i32
      %select_n3A = arith.constant true
      %select_n3A_19 = arith.constant 0 : i32
      %select_n3A_20 = arith.constant -1 : i32
      %select_n3A_21 = arith.select %select_n3A, %select_n3A_20, %select_n3A_19 : i32
      %eq3A_22 = arith.constant -1 : i32
      %eq3A_23 = arith.cmpi eq, %select_n3A_21, %eq3A_22 : i32
      %select_n3A_24 = arith.constant 78 : i32
      %select_n3A_25 = arith.select %eq3A_23, %select_n3A_24, %select_n3A_21 : i32
      %add3A_26 = arith.addi %select_n3A_25, %mul3A_8 : i32
      %select_n3A_27 = arith.constant true
      %select_n3A_28 = arith.constant 0 : i32
      %select_n3A_29 = arith.constant 1 : i32
      %select_n3A_30 = arith.select %select_n3A_27, %select_n3A_29, %select_n3A_28 : i32
      %eq3A_31 = arith.constant 79 : i32
      %eq3A_32 = arith.cmpi eq, %select_n3A_30, %eq3A_31 : i32
      %select_n3A_33 = arith.constant 0 : i32
      %select_n3A_34 = arith.select %eq3A_32, %select_n3A_33, %select_n3A_30 : i32
      %add3A_35 = arith.addi %select_n3A_34, %mul3A_8 : i32
      %add3A_36 = arith.constant 1 : i32
      %add3A_37 = arith.addi %select_n3A_34, %add3A_36 : i32
      %select_n3A_38 = arith.constant true
      %select_n3A_39 = arith.select %select_n3A_38, %add3A_37, %select_n3A_34 : i32
      %eq3A_40 = arith.constant 79 : i32
      %eq3A_41 = arith.cmpi eq, %select_n3A_39, %eq3A_40 : i32
      %select_n3A_42 = arith.constant 0 : i32
      %select_n3A_43 = arith.select %eq3A_41, %select_n3A_42, %select_n3A_39 : i32
      %add3A_44 = arith.addi %select_n3A_43, %mul3A_8 : i32
      "tpu.trace_start"() <{level = 10 : i32, message = "ep_initialize_0"}> : () -> ()
      %rem3A = arith.constant 0 : i32
      %rem3A_45 = arith.constant 2 : i32
      %rem3A_46 = arith.remui %rem3A, %rem3A_45 : i32
      %mul3A_47 = arith.constant 128 : i32
      %mul3A_48 = arith.muli %mul3A_47, %add3A_18 : i32
      %dma_start3A = arith.constant 0 : i32
      %dma_start3A_49 = arith.constant 0 : i32
      %dma_start3A_50 = tpu.memref_slice %run_scoped3A[%rem3A_46, %dma_start3A, %dma_start3A_49] : memref<2x128x16xf32, #tpu.memory_space<vmem>> -> memref<1x128x16xf32, #tpu.memory_space<vmem>>
      %dma_start3A_51 = tpu.memref_squeeze %dma_start3A_50 : memref<1x128x16xf32, #tpu.memory_space<vmem>> -> memref<128x16xf32, #tpu.memory_space<vmem>>
      %dma_start3A_52 = arith.constant 0 : i32
      %dma_start3A_53 = tpu.memref_slice %arg2[%mul3A_48, %dma_start3A_52] : memref<323584x16xf32, #tpu.memory_space<hbm>> -> memref<128x16xf32, #tpu.memory_space<hbm>>
      %dma_start3A_54 = tpu.memref_slice %run_scoped3A_14[%rem3A_46] : memref<2x!tpu.dma_semaphore, #tpu.memory_space<semaphore_mem>> -> memref<1x!tpu.dma_semaphore, #tpu.memory_space<semaphore_mem>>
      %dma_start3A_55 = tpu.memref_squeeze %dma_start3A_54 : memref<1x!tpu.dma_semaphore, #tpu.memory_space<semaphore_mem>> -> memref<!tpu.dma_semaphore, #tpu.memory_space<semaphore_mem>>
      %dma_start3A_56 = arith.constant 0 : i32
      %dma_start3A_57 = arith.constant 0 : i32
      %dma_start3A_58 = tpu.memref_slice %run_scoped3A[%rem3A_46, %dma_start3A_56, %dma_start3A_57] : memref<2x128x16xf32, #tpu.memory_space<vmem>> -> memref<1x128x16xf32, #tpu.memory_space<vmem>>
      %dma_start3A_59 = tpu.memref_squeeze %dma_start3A_58 : memref<1x128x16xf32, #tpu.memory_space<vmem>> -> memref<128x16xf32, #tpu.memory_space<vmem>>
      %dma_start3A_60 = arith.constant 0 : i32
      %dma_start3A_61 = tpu.memref_slice %arg2[%mul3A_48, %dma_start3A_60] : memref<323584x16xf32, #tpu.memory_space<hbm>> -> memref<128x16xf32, #tpu.memory_space<hbm>>
      tpu.enqueue_dma source(%dma_start3A_61 : memref<128x16xf32, #tpu.memory_space<hbm>>) target(%dma_start3A_59 : memref<128x16xf32, #tpu.memory_space<vmem>>) target_semaphore(%dma_start3A_55 : memref<!tpu.dma_semaphore, #tpu.memory_space<semaphore_mem>>)
      %add3A_62 = arith.constant 0 : i32
      %add3A_63 = arith.constant 1 : i32
      %add3A_64 = arith.addi %add3A_62, %add3A_63 : i32
      %select_n3A_65 = arith.constant true
      %select_n3A_66 = arith.constant 0 : i32
      %select_n3A_67 = arith.select %select_n3A_65, %add3A_64, %select_n3A_66 : i32
      %rem3A_68 = arith.constant 0 : i32
      %rem3A_69 = arith.constant 2 : i32
      %rem3A_70 = arith.remui %rem3A_68, %rem3A_69 : i32
      %mul3A_71 = arith.constant 128 : i32
      %mul3A_72 = arith.muli %mul3A_71, %add3A_18 : i32
      %dma_start3A_73 = arith.constant 0 : i32
      %dma_start3A_74 = arith.constant 0 : i32
      %dma_start3A_75 = tpu.memref_slice %run_scoped3A_15[%rem3A_70, %dma_start3A_73, %dma_start3A_74] : memref<2x1x128xi32, #tpu.memory_space<vmem>> -> memref<1x1x128xi32, #tpu.memory_space<vmem>>
      %dma_start3A_76 = tpu.memref_squeeze %dma_start3A_75 : memref<1x1x128xi32, #tpu.memory_space<vmem>> -> memref<1x128xi32, #tpu.memory_space<vmem>>
      %dma_start3A_77 = arith.constant 0 : i32
      %dma_start3A_78 = tpu.memref_slice %arg3[%dma_start3A_77, %mul3A_72] : memref<1x323584xi32, #tpu.memory_space<hbm>> -> memref<1x128xi32, #tpu.memory_space<hbm>>
      %dma_start3A_79 = tpu.memref_slice %run_scoped3A_16[%rem3A_70] : memref<2x!tpu.dma_semaphore, #tpu.memory_space<semaphore_mem>> -> memref<1x!tpu.dma_semaphore, #tpu.memory_space<semaphore_mem>>
      %dma_start3A_80 = tpu.memref_squeeze %dma_start3A_79 : memref<1x!tpu.dma_semaphore, #tpu.memory_space<semaphore_mem>> -> memref<!tpu.dma_semaphore, #tpu.memory_space<semaphore_mem>>
      %dma_start3A_81 = arith.constant 0 : i32
      %dma_start3A_82 = arith.constant 0 : i32
      %dma_start3A_83 = tpu.memref_slice %run_scoped3A_15[%rem3A_70, %dma_start3A_81, %dma_start3A_82] : memref<2x1x128xi32, #tpu.memory_space<vmem>> -> memref<1x1x128xi32, #tpu.memory_space<vmem>>
      %dma_start3A_84 = tpu.memref_squeeze %dma_start3A_83 : memref<1x1x128xi32, #tpu.memory_space<vmem>> -> memref<1x128xi32, #tpu.memory_space<vmem>>
      %dma_start3A_85 = arith.constant 0 : i32
      %dma_start3A_86 = tpu.memref_slice %arg3[%dma_start3A_85, %mul3A_72] : memref<1x323584xi32, #tpu.memory_space<hbm>> -> memref<1x128xi32, #tpu.memory_space<hbm>>
      tpu.enqueue_dma source(%dma_start3A_86 : memref<1x128xi32, #tpu.memory_space<hbm>>) target(%dma_start3A_84 : memref<1x128xi32, #tpu.memory_space<vmem>>) target_semaphore(%dma_start3A_80 : memref<!tpu.dma_semaphore, #tpu.memory_space<semaphore_mem>>)
      %add3A_87 = arith.constant 0 : i32
      %add3A_88 = arith.constant 1 : i32
      %add3A_89 = arith.addi %add3A_87, %add3A_88 : i32
      %select_n3A_90 = arith.constant true
      %select_n3A_91 = arith.constant 0 : i32
      %select_n3A_92 = arith.select %select_n3A_90, %add3A_89, %select_n3A_91 : i32
      "tpu.trace_stop"() : () -> ()
      %scan3A = arith.constant 0 : i32
      %scan3A_93 = arith.constant 0 : i32
      %scan3A_94 = arith.constant 0 : i32
      %scan3A_95 = arith.constant 0 : i32
      %scan3A_96 = arith.constant 79 : i32
      %scan3A_97 = arith.addi %scan3A_95, %scan3A_96 : i32
      %scan3A_98 = arith.constant 1 : i32
      %scan3A_99:5 = scf.for %scan3A_136 = %scan3A_95 to %scan3A_97 step %scan3A_98 iter_args(%scan3A_137 = %select_n3A_67, %scan3A_138 = %scan3A, %scan3A_139 = %select_n3A_92, %scan3A_140 = %scan3A_93, %scan3A_141 = %scan3A_94) -> (i32, i32, i32, i32, i32)  : i32 {
        %eq3A_142 = arith.constant 0 : i32
        %eq3A_143 = arith.cmpi eq, %scan3A_136, %eq3A_142 : i32
        %eq3A_144 = arith.constant 78 : i32
        %eq3A_145 = arith.cmpi eq, %scan3A_136, %eq3A_144 : i32
        %add3A_146 = arith.addi %scan3A_141, %mul3A_8 : i32
        %sub3A_147 = arith.constant 1 : i32
        %sub3A_148 = arith.subi %scan3A_141, %sub3A_147 : i32
        %select_n3A_149 = arith.constant true
        %select_n3A_150 = arith.select %select_n3A_149, %sub3A_148, %scan3A_141 : i32
        %eq3A_151 = arith.constant -1 : i32
        %eq3A_152 = arith.cmpi eq, %select_n3A_150, %eq3A_151 : i32
        %select_n3A_153 = arith.constant 78 : i32
        %select_n3A_154 = arith.select %eq3A_152, %select_n3A_153, %select_n3A_150 : i32
        %add3A_155 = arith.addi %select_n3A_154, %mul3A_8 : i32
        %add3A_156 = arith.constant 1 : i32
        %add3A_157 = arith.addi %scan3A_141, %add3A_156 : i32
        %select_n3A_158 = arith.constant true
        %select_n3A_159 = arith.select %select_n3A_158, %add3A_157, %scan3A_141 : i32
        %eq3A_160 = arith.constant 79 : i32
        %eq3A_161 = arith.cmpi eq, %select_n3A_159, %eq3A_160 : i32
        %select_n3A_162 = arith.constant 0 : i32
        %select_n3A_163 = arith.select %eq3A_161, %select_n3A_162, %select_n3A_159 : i32
        %add3A_164 = arith.addi %select_n3A_163, %mul3A_8 : i32
        %add3A_165 = arith.constant 1 : i32
        %add3A_166 = arith.addi %select_n3A_163, %add3A_165 : i32
        %select_n3A_167 = arith.constant true
        %select_n3A_168 = arith.select %select_n3A_167, %add3A_166, %select_n3A_163 : i32
        %eq3A_169 = arith.constant 79 : i32
        %eq3A_170 = arith.cmpi eq, %select_n3A_168, %eq3A_169 : i32
        %select_n3A_171 = arith.constant 0 : i32
        %select_n3A_172 = arith.select %eq3A_170, %select_n3A_171, %select_n3A_168 : i32
        %add3A_173 = arith.addi %select_n3A_172, %mul3A_8 : i32
        %ne3A = arith.cmpi ne, %add3A_146, %add3A_164 : i32
        %or3A = arith.constant false
        %or3A_174 = arith.ori %or3A, %ne3A : i1
        %or3A_175 = arith.constant false
        %or3A_176 = arith.ori %or3A_174, %or3A_175 : i1
        %ge3A = arith.constant 78 : i32
        %ge3A_177 = arith.cmpi sge, %scan3A_136, %ge3A : i32
        %not3A = arith.constant true
        %not3A_178 = arith.xori %ge3A_177, %not3A : i1
        %and3A = arith.andi %or3A_176, %not3A_178 : i1
        %convert_element_type3A_179 = arith.extui %and3A : i1 to i32
        %cond3A_180 = arith.constant 0 : i32
        %cond3A_181 = arith.cmpi ne, %convert_element_type3A_179, %cond3A_180 : i32
        scf.if %cond3A_181 {
          "tpu.trace_start"() <{level = 10 : i32, message = "ep_copy_in"}> : () -> ()
          %rem3A_292 = arith.constant 2 : i32
          %rem3A_293 = arith.remui %scan3A_137, %rem3A_292 : i32
          %mul3A_294 = arith.constant 128 : i32
          %mul3A_295 = arith.muli %mul3A_294, %add3A_164 : i32
          %dma_start3A_296 = arith.constant 0 : i32
          %dma_start3A_297 = arith.constant 0 : i32
          %dma_start3A_298 = tpu.memref_slice %run_scoped3A[%rem3A_293, %dma_start3A_296, %dma_start3A_297] : memref<2x128x16xf32, #tpu.memory_space<vmem>> -> memref<1x128x16xf32, #tpu.memory_space<vmem>>
          %dma_start3A_299 = tpu.memref_squeeze %dma_start3A_298 : memref<1x128x16xf32, #tpu.memory_space<vmem>> -> memref<128x16xf32, #tpu.memory_space<vmem>>
          %dma_start3A_300 = arith.constant 0 : i32
          %dma_start3A_301 = tpu.memref_slice %arg2[%mul3A_295, %dma_start3A_300] : memref<323584x16xf32, #tpu.memory_space<hbm>> -> memref<128x16xf32, #tpu.memory_space<hbm>>
          %dma_start3A_302 = tpu.memref_slice %run_scoped3A_14[%rem3A_293] : memref<2x!tpu.dma_semaphore, #tpu.memory_space<semaphore_mem>> -> memref<1x!tpu.dma_semaphore, #tpu.memory_space<semaphore_mem>>
          %dma_start3A_303 = tpu.memref_squeeze %dma_start3A_302 : memref<1x!tpu.dma_semaphore, #tpu.memory_space<semaphore_mem>> -> memref<!tpu.dma_semaphore, #tpu.memory_space<semaphore_mem>>
          %dma_start3A_304 = arith.constant 0 : i32
          %dma_start3A_305 = arith.constant 0 : i32
          %dma_start3A_306 = tpu.memref_slice %run_scoped3A[%rem3A_293, %dma_start3A_304, %dma_start3A_305] : memref<2x128x16xf32, #tpu.memory_space<vmem>> -> memref<1x128x16xf32, #tpu.memory_space<vmem>>
          %dma_start3A_307 = tpu.memref_squeeze %dma_start3A_306 : memref<1x128x16xf32, #tpu.memory_space<vmem>> -> memref<128x16xf32, #tpu.memory_space<vmem>>
          %dma_start3A_308 = arith.constant 0 : i32
          %dma_start3A_309 = tpu.memref_slice %arg2[%mul3A_295, %dma_start3A_308] : memref<323584x16xf32, #tpu.memory_space<hbm>> -> memref<128x16xf32, #tpu.memory_space<hbm>>
          tpu.enqueue_dma source(%dma_start3A_309 : memref<128x16xf32, #tpu.memory_space<hbm>>) target(%dma_start3A_307 : memref<128x16xf32, #tpu.memory_space<vmem>>) target_semaphore(%dma_start3A_303 : memref<!tpu.dma_semaphore, #tpu.memory_space<semaphore_mem>>)
          "tpu.trace_stop"() : () -> ()
        } else {
        }
        %and3A_182 = arith.constant true
        %and3A_183 = arith.andi %and3A, %and3A_182 : i1
        %add3A_184 = arith.constant 1 : i32
        %add3A_185 = arith.addi %scan3A_137, %add3A_184 : i32
        %select_n3A_186 = arith.select %and3A_183, %add3A_185, %scan3A_137 : i32
        %ne3A_187 = arith.cmpi ne, %add3A_146, %add3A_164 : i32
        %or3A_188 = arith.constant false
        %or3A_189 = arith.ori %or3A_188, %ne3A_187 : i1
        %ge3A_190 = arith.constant 78 : i32
        %ge3A_191 = arith.cmpi sge, %scan3A_136, %ge3A_190 : i32
        %not3A_192 = arith.constant true
        %not3A_193 = arith.xori %ge3A_191, %not3A_192 : i1
        %and3A_194 = arith.andi %or3A_189, %not3A_193 : i1
        %convert_element_type3A_195 = arith.extui %and3A_194 : i1 to i32
        %cond3A_196 = arith.constant 0 : i32
        %cond3A_197 = arith.cmpi ne, %convert_element_type3A_195, %cond3A_196 : i32
        scf.if %cond3A_197 {
          "tpu.trace_start"() <{level = 10 : i32, message = "ep_copy_in"}> : () -> ()
          %rem3A_292 = arith.constant 2 : i32
          %rem3A_293 = arith.remui %scan3A_139, %rem3A_292 : i32
          %mul3A_294 = arith.constant 128 : i32
          %mul3A_295 = arith.muli %mul3A_294, %add3A_164 : i32
          %dma_start3A_296 = arith.constant 0 : i32
          %dma_start3A_297 = arith.constant 0 : i32
          %dma_start3A_298 = tpu.memref_slice %run_scoped3A_15[%rem3A_293, %dma_start3A_296, %dma_start3A_297] : memref<2x1x128xi32, #tpu.memory_space<vmem>> -> memref<1x1x128xi32, #tpu.memory_space<vmem>>
          %dma_start3A_299 = tpu.memref_squeeze %dma_start3A_298 : memref<1x1x128xi32, #tpu.memory_space<vmem>> -> memref<1x128xi32, #tpu.memory_space<vmem>>
          %dma_start3A_300 = arith.constant 0 : i32
          %dma_start3A_301 = tpu.memref_slice %arg3[%dma_start3A_300, %mul3A_295] : memref<1x323584xi32, #tpu.memory_space<hbm>> -> memref<1x128xi32, #tpu.memory_space<hbm>>
          %dma_start3A_302 = tpu.memref_slice %run_scoped3A_16[%rem3A_293] : memref<2x!tpu.dma_semaphore, #tpu.memory_space<semaphore_mem>> -> memref<1x!tpu.dma_semaphore, #tpu.memory_space<semaphore_mem>>
          %dma_start3A_303 = tpu.memref_squeeze %dma_start3A_302 : memref<1x!tpu.dma_semaphore, #tpu.memory_space<semaphore_mem>> -> memref<!tpu.dma_semaphore, #tpu.memory_space<semaphore_mem>>
          %dma_start3A_304 = arith.constant 0 : i32
          %dma_start3A_305 = arith.constant 0 : i32
          %dma_start3A_306 = tpu.memref_slice %run_scoped3A_15[%rem3A_293, %dma_start3A_304, %dma_start3A_305] : memref<2x1x128xi32, #tpu.memory_space<vmem>> -> memref<1x1x128xi32, #tpu.memory_space<vmem>>
          %dma_start3A_307 = tpu.memref_squeeze %dma_start3A_306 : memref<1x1x128xi32, #tpu.memory_space<vmem>> -> memref<1x128xi32, #tpu.memory_space<vmem>>
          %dma_start3A_308 = arith.constant 0 : i32
          %dma_start3A_309 = tpu.memref_slice %arg3[%dma_start3A_308, %mul3A_295] : memref<1x323584xi32, #tpu.memory_space<hbm>> -> memref<1x128xi32, #tpu.memory_space<hbm>>
          tpu.enqueue_dma source(%dma_start3A_309 : memref<1x128xi32, #tpu.memory_space<hbm>>) target(%dma_start3A_307 : memref<1x128xi32, #tpu.memory_space<vmem>>) target_semaphore(%dma_start3A_303 : memref<!tpu.dma_semaphore, #tpu.memory_space<semaphore_mem>>)
          "tpu.trace_stop"() : () -> ()
        } else {
        }
        %and3A_198 = arith.constant true
        %and3A_199 = arith.andi %and3A_194, %and3A_198 : i1
        %add3A_200 = arith.constant 1 : i32
        %add3A_201 = arith.addi %scan3A_139, %add3A_200 : i32
        %select_n3A_202 = arith.select %and3A_199, %add3A_201, %scan3A_139 : i32
        %ne3A_203 = arith.cmpi ne, %add3A_146, %add3A_155 : i32
        %or3A_204 = arith.constant false
        %or3A_205 = arith.ori %or3A_204, %ne3A_203 : i1
        %or3A_206 = arith.constant false
        %or3A_207 = arith.ori %or3A_205, %or3A_206 : i1
        %or3A_208 = arith.ori %or3A_207, %eq3A_143 : i1
        %convert_element_type3A_209 = arith.extui %or3A_208 : i1 to i32
        %cond3A_210 = arith.constant 0 : i32
        %cond3A_211 = arith.cmpi ne, %convert_element_type3A_209, %cond3A_210 : i32
        scf.if %cond3A_211 {
          "tpu.trace_start"() <{level = 10 : i32, message = "ep_wait_in"}> : () -> ()
          %mul3A_292 = arith.constant 128 : i32
          %mul3A_293 = arith.muli %mul3A_292, %add3A_146 : i32
          %rem3A_294 = arith.constant 2 : i32
          %rem3A_295 = arith.remui %scan3A_138, %rem3A_294 : i32
          %dma_wait3A = arith.constant 0 : i32
          %dma_wait3A_296 = arith.constant 0 : i32
          %dma_wait3A_297 = tpu.memref_slice %run_scoped3A[%rem3A_295, %dma_wait3A, %dma_wait3A_296] : memref<2x128x16xf32, #tpu.memory_space<vmem>> -> memref<1x128x16xf32, #tpu.memory_space<vmem>>
          %dma_wait3A_298 = tpu.memref_squeeze %dma_wait3A_297 : memref<1x128x16xf32, #tpu.memory_space<vmem>> -> memref<128x16xf32, #tpu.memory_space<vmem>>
          %dma_wait3A_299 = arith.constant 0 : i32
          %dma_wait3A_300 = tpu.memref_slice %arg2[%mul3A_293, %dma_wait3A_299] : memref<323584x16xf32, #tpu.memory_space<hbm>> -> memref<128x16xf32, #tpu.memory_space<hbm>>
          %dma_wait3A_301 = tpu.memref_slice %run_scoped3A_14[%rem3A_295] : memref<2x!tpu.dma_semaphore, #tpu.memory_space<semaphore_mem>> -> memref<1x!tpu.dma_semaphore, #tpu.memory_space<semaphore_mem>>
          %dma_wait3A_302 = tpu.memref_squeeze %dma_wait3A_301 : memref<1x!tpu.dma_semaphore, #tpu.memory_space<semaphore_mem>> -> memref<!tpu.dma_semaphore, #tpu.memory_space<semaphore_mem>>
          %dma_wait3A_303 = arith.constant 0 : i32
          %dma_wait3A_304 = arith.constant 0 : i32
          %dma_wait3A_305 = tpu.memref_slice %run_scoped3A[%rem3A_295, %dma_wait3A_303, %dma_wait3A_304] : memref<2x128x16xf32, #tpu.memory_space<vmem>> -> memref<1x128x16xf32, #tpu.memory_space<vmem>>
          %dma_wait3A_306 = tpu.memref_squeeze %dma_wait3A_305 : memref<1x128x16xf32, #tpu.memory_space<vmem>> -> memref<128x16xf32, #tpu.memory_space<vmem>>
          %dma_wait3A_307 = arith.constant 0 : i32
          %dma_wait3A_308 = tpu.memref_slice %arg2[%mul3A_293, %dma_wait3A_307] : memref<323584x16xf32, #tpu.memory_space<hbm>> -> memref<128x16xf32, #tpu.memory_space<hbm>>
          tpu.wait_dma2 semaphore(%dma_wait3A_302 : memref<!tpu.dma_semaphore, #tpu.memory_space<semaphore_mem>>) src(%dma_wait3A_308 : memref<128x16xf32, #tpu.memory_space<hbm>>) dst(%dma_wait3A_306 : memref<128x16xf32, #tpu.memory_space<vmem>>)
          "tpu.trace_stop"() : () -> ()
        } else {
        }
        %ne3A_212 = arith.cmpi ne, %add3A_146, %add3A_155 : i32
        %or3A_213 = arith.constant false
        %or3A_214 = arith.ori %or3A_213, %ne3A_212 : i1
        %or3A_215 = arith.ori %or3A_214, %eq3A_143 : i1
        %convert_element_type3A_216 = arith.extui %or3A_215 : i1 to i32
        %cond3A_217 = arith.constant 0 : i32
        %cond3A_218 = arith.cmpi ne, %convert_element_type3A_216, %cond3A_217 : i32
        scf.if %cond3A_218 {
          "tpu.trace_start"() <{level = 10 : i32, message = "ep_wait_in"}> : () -> ()
          %mul3A_292 = arith.constant 128 : i32
          %mul3A_293 = arith.muli %mul3A_292, %add3A_146 : i32
          %rem3A_294 = arith.constant 2 : i32
          %rem3A_295 = arith.remui %scan3A_140, %rem3A_294 : i32
          %dma_wait3A = arith.constant 0 : i32
          %dma_wait3A_296 = arith.constant 0 : i32
          %dma_wait3A_297 = tpu.memref_slice %run_scoped3A_15[%rem3A_295, %dma_wait3A, %dma_wait3A_296] : memref<2x1x128xi32, #tpu.memory_space<vmem>> -> memref<1x1x128xi32, #tpu.memory_space<vmem>>
          %dma_wait3A_298 = tpu.memref_squeeze %dma_wait3A_297 : memref<1x1x128xi32, #tpu.memory_space<vmem>> -> memref<1x128xi32, #tpu.memory_space<vmem>>
          %dma_wait3A_299 = arith.constant 0 : i32
          %dma_wait3A_300 = tpu.memref_slice %arg3[%dma_wait3A_299, %mul3A_293] : memref<1x323584xi32, #tpu.memory_space<hbm>> -> memref<1x128xi32, #tpu.memory_space<hbm>>
          %dma_wait3A_301 = tpu.memref_slice %run_scoped3A_16[%rem3A_295] : memref<2x!tpu.dma_semaphore, #tpu.memory_space<semaphore_mem>> -> memref<1x!tpu.dma_semaphore, #tpu.memory_space<semaphore_mem>>
          %dma_wait3A_302 = tpu.memref_squeeze %dma_wait3A_301 : memref<1x!tpu.dma_semaphore, #tpu.memory_space<semaphore_mem>> -> memref<!tpu.dma_semaphore, #tpu.memory_space<semaphore_mem>>
          %dma_wait3A_303 = arith.constant 0 : i32
          %dma_wait3A_304 = arith.constant 0 : i32
          %dma_wait3A_305 = tpu.memref_slice %run_scoped3A_15[%rem3A_295, %dma_wait3A_303, %dma_wait3A_304] : memref<2x1x128xi32, #tpu.memory_space<vmem>> -> memref<1x1x128xi32, #tpu.memory_space<vmem>>
          %dma_wait3A_306 = tpu.memref_squeeze %dma_wait3A_305 : memref<1x1x128xi32, #tpu.memory_space<vmem>> -> memref<1x128xi32, #tpu.memory_space<vmem>>
          %dma_wait3A_307 = arith.constant 0 : i32
          %dma_wait3A_308 = tpu.memref_slice %arg3[%dma_wait3A_307, %mul3A_293] : memref<1x323584xi32, #tpu.memory_space<hbm>> -> memref<1x128xi32, #tpu.memory_space<hbm>>
          tpu.wait_dma2 semaphore(%dma_wait3A_302 : memref<!tpu.dma_semaphore, #tpu.memory_space<semaphore_mem>>) src(%dma_wait3A_308 : memref<1x128xi32, #tpu.memory_space<hbm>>) dst(%dma_wait3A_306 : memref<1x128xi32, #tpu.memory_space<vmem>>)
          "tpu.trace_stop"() : () -> ()
        } else {
        }
        %rem3A_219 = arith.constant 2 : i32
        %rem3A_220 = arith.remui %scan3A_138, %rem3A_219 : i32
        %rem3A_221 = arith.constant 2 : i32
        %rem3A_222 = arith.remui %scan3A_140, %rem3A_221 : i32
        %run_scoped3A_223 = arith.constant 0 : i32
        "tpu.trace_start"() <{level = 10 : i32, message = "ep_run_kernel"}> : () -> ()
        "tpu.region"() ({
          %run_scoped3A_292 = tpu.sem_alloc : memref<!tpu.dma_semaphore, #tpu.memory_space<semaphore_mem>>
          %dma_start3A_293 = arith.constant 0 : i32
          %dma_start3A_294 = arith.constant 0 : i32
          %dma_start3A_295 = tpu.memref_slice %run_scoped3A[%rem3A_220, %dma_start3A_293, %dma_start3A_294] : memref<2x128x16xf32, #tpu.memory_space<vmem>> -> memref<1x128x16xf32, #tpu.memory_space<vmem>>
          %dma_start3A_296 = tpu.memref_squeeze %dma_start3A_295 : memref<1x128x16xf32, #tpu.memory_space<vmem>> -> memref<128x16xf32, #tpu.memory_space<vmem>>
          %dma_start3A_297 = arith.constant 0 : i32
          %dma_start3A_298 = arith.constant 0 : i32
          %dma_start3A_299 = tpu.memref_slice %run_scoped3A_15[%rem3A_222, %dma_start3A_297, %dma_start3A_298] : memref<2x1x128xi32, #tpu.memory_space<vmem>> -> memref<1x1x128xi32, #tpu.memory_space<vmem>>
          %dma_start3A_300 = tpu.memref_squeeze %dma_start3A_299 : memref<1x1x128xi32, #tpu.memory_space<vmem>> -> memref<1x128xi32, #tpu.memory_space<vmem>>
          %dma_start3A_301 = arith.constant 0 : i32
          %dma_start3A_302 = tpu.memref_slice %dma_start3A_300[%run_scoped3A_223, %dma_start3A_301] : memref<1x128xi32, #tpu.memory_space<vmem>> -> memref<1x128xi32, #tpu.memory_space<vmem>>
          %dma_start3A_303 = tpu.memref_squeeze %dma_start3A_302 : memref<1x128xi32, #tpu.memory_space<vmem>> -> memref<128xi32, #tpu.memory_space<vmem>>
          %dma_start3A_304 = arith.constant 0 : i32
          %dma_start3A_305 = arith.constant 0 : i32
          %dma_start3A_306 = tpu.memref_slice %arg6[%dma_start3A_304, %dma_start3A_305] : memref<10000x16xf32, #tpu.memory_space<vmem_shared>> -> memref<10000x16xf32, #tpu.memory_space<vmem_shared>>
          tpu.enqueue_indirect_dma source(%dma_start3A_296 : memref<128x16xf32, #tpu.memory_space<vmem>>) target(%dma_start3A_306 : memref<10000x16xf32, #tpu.memory_space<vmem_shared>>) offsets(%dma_start3A_303 : memref<128xi32, #tpu.memory_space<vmem>>) semaphore(%run_scoped3A_292 : memref<!tpu.dma_semaphore, #tpu.memory_space<semaphore_mem>>) {add = true}
          %dma_wait3A = arith.constant 0 : i32
          %dma_wait3A_307 = arith.constant 0 : i32
          %dma_wait3A_308 = tpu.memref_slice %run_scoped3A[%rem3A_220, %dma_wait3A, %dma_wait3A_307] : memref<2x128x16xf32, #tpu.memory_space<vmem>> -> memref<1x128x16xf32, #tpu.memory_space<vmem>>
          %dma_wait3A_309 = tpu.memref_squeeze %dma_wait3A_308 : memref<1x128x16xf32, #tpu.memory_space<vmem>> -> memref<128x16xf32, #tpu.memory_space<vmem>>
          %dma_wait3A_310 = arith.constant 0 : i32
          %dma_wait3A_311 = arith.constant 0 : i32
          %dma_wait3A_312 = tpu.memref_slice %run_scoped3A_15[%rem3A_222, %dma_wait3A_310, %dma_wait3A_311] : memref<2x1x128xi32, #tpu.memory_space<vmem>> -> memref<1x1x128xi32, #tpu.memory_space<vmem>>
          %dma_wait3A_313 = tpu.memref_squeeze %dma_wait3A_312 : memref<1x1x128xi32, #tpu.memory_space<vmem>> -> memref<1x128xi32, #tpu.memory_space<vmem>>
          %dma_wait3A_314 = arith.constant 0 : i32
          %dma_wait3A_315 = tpu.memref_slice %dma_wait3A_313[%run_scoped3A_223, %dma_wait3A_314] : memref<1x128xi32, #tpu.memory_space<vmem>> -> memref<1x128xi32, #tpu.memory_space<vmem>>
          %dma_wait3A_316 = tpu.memref_squeeze %dma_wait3A_315 : memref<1x128xi32, #tpu.memory_space<vmem>> -> memref<128xi32, #tpu.memory_space<vmem>>
          %dma_wait3A_317 = arith.constant 0 : i32
          %dma_wait3A_318 = arith.constant 0 : i32
          %dma_wait3A_319 = tpu.memref_slice %arg6[%dma_wait3A_317, %dma_wait3A_318] : memref<10000x16xf32, #tpu.memory_space<vmem_shared>> -> memref<10000x16xf32, #tpu.memory_space<vmem_shared>>
          tpu.wait_indirect_dma semaphore(%run_scoped3A_292 : memref<!tpu.dma_semaphore, #tpu.memory_space<semaphore_mem>>) src(%dma_wait3A_309 : memref<128x16xf32, #tpu.memory_space<vmem>>) dst(%dma_wait3A_319 : memref<10000x16xf32, #tpu.memory_space<vmem_shared>>)
          tpu.yield
        }) : () -> ()
        "tpu.trace_stop"() : () -> ()
        %ne3A_224 = arith.cmpi ne, %add3A_146, %add3A_164 : i32
        %or3A_225 = arith.constant false
        %or3A_226 = arith.ori %or3A_225, %ne3A_224 : i1
        %or3A_227 = arith.constant false
        %or3A_228 = arith.ori %or3A_226, %or3A_227 : i1
        %or3A_229 = arith.ori %or3A_228, %eq3A_145 : i1
        %convert_element_type3A_230 = arith.extui %or3A_229 : i1 to i32
        %cond3A_231 = arith.constant 0 : i32
        %cond3A_232 = arith.cmpi ne, %convert_element_type3A_230, %cond3A_231 : i32
        scf.if %cond3A_232 {
        } else {
        }
        %and3A_233 = arith.constant false
        %and3A_234 = arith.andi %or3A_229, %and3A_233 : i1
        %ne3A_235 = arith.cmpi ne, %add3A_146, %add3A_164 : i32
        %or3A_236 = arith.constant false
        %or3A_237 = arith.ori %or3A_236, %ne3A_235 : i1
        %or3A_238 = arith.ori %or3A_237, %eq3A_145 : i1
        %convert_element_type3A_239 = arith.extui %or3A_238 : i1 to i32
        %cond3A_240 = arith.constant 0 : i32
        %cond3A_241 = arith.cmpi ne, %convert_element_type3A_239, %cond3A_240 : i32
        scf.if %cond3A_241 {
        } else {
        }
        %and3A_242 = arith.constant false
        %and3A_243 = arith.andi %or3A_238, %and3A_242 : i1
        %ne3A_244 = arith.cmpi ne, %add3A_146, %add3A_155 : i32
        %or3A_245 = arith.constant false
        %or3A_246 = arith.ori %or3A_245, %ne3A_244 : i1
        %or3A_247 = arith.constant false
        %or3A_248 = arith.ori %or3A_246, %or3A_247 : i1
        %not3A_249 = arith.constant true
        %not3A_250 = arith.xori %eq3A_143, %not3A_249 : i1
        %and3A_251 = arith.andi %or3A_248, %not3A_250 : i1
        %convert_element_type3A_252 = arith.extui %and3A_251 : i1 to i32
        %cond3A_253 = arith.constant 0 : i32
        %cond3A_254 = arith.cmpi ne, %convert_element_type3A_252, %cond3A_253 : i32
        scf.if %cond3A_254 {
        } else {
        }
        %and3A_255 = arith.constant false
        %and3A_256 = arith.andi %and3A_251, %and3A_255 : i1
        %ne3A_257 = arith.cmpi ne, %add3A_146, %add3A_155 : i32
        %or3A_258 = arith.constant false
        %or3A_259 = arith.ori %or3A_258, %ne3A_257 : i1
        %not3A_260 = arith.constant true
        %not3A_261 = arith.xori %eq3A_143, %not3A_260 : i1
        %and3A_262 = arith.andi %or3A_259, %not3A_261 : i1
        %convert_element_type3A_263 = arith.extui %and3A_262 : i1 to i32
        %cond3A_264 = arith.constant 0 : i32
        %cond3A_265 = arith.cmpi ne, %convert_element_type3A_263, %cond3A_264 : i32
        scf.if %cond3A_265 {
        } else {
        }
        %and3A_266 = arith.constant false
        %and3A_267 = arith.andi %and3A_262, %and3A_266 : i1
        %ne3A_268 = arith.cmpi ne, %add3A_146, %add3A_164 : i32
        %or3A_269 = arith.constant false
        %or3A_270 = arith.ori %or3A_269, %ne3A_268 : i1
        %or3A_271 = arith.constant false
        %or3A_272 = arith.ori %or3A_270, %or3A_271 : i1
        %or3A_273 = arith.ori %or3A_272, %eq3A_145 : i1
        %add3A_274 = arith.constant 1 : i32
        %add3A_275 = arith.addi %scan3A_138, %add3A_274 : i32
        %select_n3A_276 = arith.select %or3A_273, %add3A_275, %scan3A_138 : i32
        %ne3A_277 = arith.cmpi ne, %add3A_146, %add3A_164 : i32
        %or3A_278 = arith.constant false
        %or3A_279 = arith.ori %or3A_278, %ne3A_277 : i1
        %or3A_280 = arith.ori %or3A_279, %eq3A_145 : i1
        %add3A_281 = arith.constant 1 : i32
        %add3A_282 = arith.addi %scan3A_140, %add3A_281 : i32
        %select_n3A_283 = arith.select %or3A_280, %add3A_282, %scan3A_140 : i32
        %add3A_284 = arith.constant 1 : i32
        %add3A_285 = arith.addi %scan3A_141, %add3A_284 : i32
        %select_n3A_286 = arith.constant true
        %select_n3A_287 = arith.select %select_n3A_286, %add3A_285, %scan3A_141 : i32
        %eq3A_288 = arith.constant 79 : i32
        %eq3A_289 = arith.cmpi eq, %select_n3A_287, %eq3A_288 : i32
        %select_n3A_290 = arith.constant 0 : i32
        %select_n3A_291 = arith.select %eq3A_289, %select_n3A_290, %select_n3A_287 : i32
        scf.yield %select_n3A_186, %select_n3A_276, %select_n3A_202, %select_n3A_283, %select_n3A_291 : i32, i32, i32, i32, i32
      }
      %scan3A_100 = arith.constant 79 : i32
      %sub3A = arith.constant 1 : i32
      %sub3A_101 = arith.subi %scan3A_99#4, %sub3A : i32
      %select_n3A_102 = arith.constant true
      %select_n3A_103 = arith.select %select_n3A_102, %sub3A_101, %scan3A_99#4 : i32
      %eq3A_104 = arith.constant -1 : i32
      %eq3A_105 = arith.cmpi eq, %select_n3A_103, %eq3A_104 : i32
      %select_n3A_106 = arith.constant 78 : i32
      %select_n3A_107 = arith.select %eq3A_105, %select_n3A_106, %select_n3A_103 : i32
      %add3A_108 = arith.addi %select_n3A_107, %mul3A_8 : i32
      %sub3A_109 = arith.constant 1 : i32
      %sub3A_110 = arith.subi %select_n3A_107, %sub3A_109 : i32
      %select_n3A_111 = arith.constant true
      %select_n3A_112 = arith.select %select_n3A_111, %sub3A_110, %select_n3A_107 : i32
      %eq3A_113 = arith.constant -1 : i32
      %eq3A_114 = arith.cmpi eq, %select_n3A_112, %eq3A_113 : i32
      %select_n3A_115 = arith.constant 78 : i32
      %select_n3A_116 = arith.select %eq3A_114, %select_n3A_115, %select_n3A_112 : i32
      %add3A_117 = arith.addi %select_n3A_116, %mul3A_8 : i32
      %add3A_118 = arith.constant 1 : i32
      %add3A_119 = arith.addi %select_n3A_107, %add3A_118 : i32
      %select_n3A_120 = arith.constant true
      %select_n3A_121 = arith.select %select_n3A_120, %add3A_119, %select_n3A_107 : i32
      %eq3A_122 = arith.constant 79 : i32
      %eq3A_123 = arith.cmpi eq, %select_n3A_121, %eq3A_122 : i32
      %select_n3A_124 = arith.constant 0 : i32
      %select_n3A_125 = arith.select %eq3A_123, %select_n3A_124, %select_n3A_121 : i32
      %add3A_126 = arith.addi %select_n3A_125, %mul3A_8 : i32
      %add3A_127 = arith.constant 1 : i32
      %add3A_128 = arith.addi %select_n3A_125, %add3A_127 : i32
      %select_n3A_129 = arith.constant true
      %select_n3A_130 = arith.select %select_n3A_129, %add3A_128, %select_n3A_125 : i32
      %eq3A_131 = arith.constant 79 : i32
      %eq3A_132 = arith.cmpi eq, %select_n3A_130, %eq3A_131 : i32
      %select_n3A_133 = arith.constant 0 : i32
      %select_n3A_134 = arith.select %eq3A_132, %select_n3A_133, %select_n3A_130 : i32
      %add3A_135 = arith.addi %select_n3A_134, %mul3A_8 : i32
      tpu.yield
    }) : () -> ()
    %barrier3A_9 = arith.constant 0 : index
    tpu.barrier barrier_id(%barrier3A_9)
    %mul3A_10 = arith.constant 625 : i32
    %mul3A_11 = arith.muli %arg1, %mul3A_10 : i32
    %mul3A_12 = arith.constant 625 : i32
    %mul3A_13 = arith.muli %arg1, %mul3A_12 : i32
    "tpu.region"() ({
      %run_scoped3A = tpu.sem_alloc : memref<!tpu.dma_semaphore, #tpu.memory_space<semaphore_mem>>
      %dma_start3A = arith.constant 0 : i32
      %dma_start3A_14 = arith.constant 0 : i32
      %dma_start3A_15 = tpu.memref_slice %arg5[%arg0, %dma_start3A, %dma_start3A_14] : memref<2x10000x16xf32, #tpu.memory_space<hbm>> -> memref<1x10000x16xf32, #tpu.memory_space<hbm>>
      %dma_start3A_16 = tpu.memref_squeeze %dma_start3A_15 : memref<1x10000x16xf32, #tpu.memory_space<hbm>> -> memref<10000x16xf32, #tpu.memory_space<hbm>>
      %dma_start3A_17 = arith.constant 0 : i32
      %dma_start3A_18 = tpu.memref_slice %dma_start3A_16[%mul3A_13, %dma_start3A_17] : memref<10000x16xf32, #tpu.memory_space<hbm>> -> memref<625x16xf32, #tpu.memory_space<hbm>>
      %dma_start3A_19 = arith.constant 0 : i32
      %dma_start3A_20 = tpu.memref_slice %arg6[%mul3A_11, %dma_start3A_19] : memref<10000x16xf32, #tpu.memory_space<vmem_shared>> -> memref<625x16xf32, #tpu.memory_space<vmem_shared>>
      tpu.enqueue_dma source(%dma_start3A_20 : memref<625x16xf32, #tpu.memory_space<vmem_shared>>) target(%dma_start3A_18 : memref<625x16xf32, #tpu.memory_space<hbm>>) target_semaphore(%run_scoped3A : memref<!tpu.dma_semaphore, #tpu.memory_space<semaphore_mem>>)
      %dma_wait3A = arith.constant 0 : i32
      %dma_wait3A_21 = arith.constant 0 : i32
      %dma_wait3A_22 = tpu.memref_slice %arg5[%arg0, %dma_wait3A, %dma_wait3A_21] : memref<2x10000x16xf32, #tpu.memory_space<hbm>> -> memref<1x10000x16xf32, #tpu.memory_space<hbm>>
      %dma_wait3A_23 = tpu.memref_squeeze %dma_wait3A_22 : memref<1x10000x16xf32, #tpu.memory_space<hbm>> -> memref<10000x16xf32, #tpu.memory_space<hbm>>
      %dma_wait3A_24 = arith.constant 0 : i32
      %dma_wait3A_25 = tpu.memref_slice %dma_wait3A_23[%mul3A_13, %dma_wait3A_24] : memref<10000x16xf32, #tpu.memory_space<hbm>> -> memref<625x16xf32, #tpu.memory_space<hbm>>
      %dma_wait3A_26 = arith.constant 0 : i32
      %dma_wait3A_27 = tpu.memref_slice %arg6[%mul3A_11, %dma_wait3A_26] : memref<10000x16xf32, #tpu.memory_space<vmem_shared>> -> memref<625x16xf32, #tpu.memory_space<vmem_shared>>
      tpu.wait_dma2 semaphore(%run_scoped3A : memref<!tpu.dma_semaphore, #tpu.memory_space<semaphore_mem>>) src(%dma_wait3A_27 : memref<625x16xf32, #tpu.memory_space<vmem_shared>>) dst(%dma_wait3A_25 : memref<625x16xf32, #tpu.memory_space<hbm>>)
      tpu.yield
    }) : () -> ()
    return
  }
}

#map = affine_map<(d0, d1) -> (0, 0)>
module attributes {stable_mosaic.version = 14 : i64} {
  func.func @k(%arg0: i32, %arg1: i32, %arg2: memref<10000x16xf32, #tpu.memory_space<hbm>>, %arg3: memref<1x323584xi32, #tpu.memory_space<hbm>>, %arg4: memref<323584x16xf32, #tpu.memory_space<hbm>>) attributes {dimension_semantics = [#tpu.dimension_semantics<core_parallel>, #tpu.dimension_semantics<subcore_parallel>], iteration_bounds = array<i64: 2, 16>, scalar_prefetch = 0 : i64, scratch_operands = 0 : i64, tpu.core_type = #tpu.core_type<sc_vector_subcore>, window_params = [{transform_indices = #map}, {transform_indices = #map}, {transform_indices = #map}]} {
    %mul3A = arith.constant 1 : i32
    %mul3A_0 = arith.muli %arg1, %mul3A : i32
    %add3A = arith.constant 0 : i32
    %add3A_1 = arith.addi %add3A, %mul3A_0 : i32
    %mul3A_2 = arith.constant 16 : i32
    %mul3A_3 = arith.muli %arg0, %mul3A_2 : i32
    %add3A_4 = arith.addi %add3A_1, %mul3A_3 : i32
    %mul3A_5 = arith.constant 79 : i32
    %mul3A_6 = arith.muli %add3A_4, %mul3A_5 : i32
    "tpu.region"() ({
      %run_scoped3A = memref.alloca() : memref<2x1x128xi32, #tpu.memory_space<vmem>>
      %run_scoped3A_7 = tpu.sem_alloc : memref<2x!tpu.dma_semaphore, #tpu.memory_space<semaphore_mem>>
      %run_scoped3A_8 = memref.alloca() : memref<2x128x16xf32, #tpu.memory_space<vmem>>
      %run_scoped3A_9 = tpu.sem_alloc : memref<2x!tpu.dma_semaphore, #tpu.memory_space<semaphore_mem>>
      %add3A_10 = arith.constant 0 : i32
      %add3A_11 = arith.addi %add3A_10, %mul3A_6 : i32
      %select_n3A = arith.constant true
      %select_n3A_12 = arith.constant 0 : i32
      %select_n3A_13 = arith.constant -1 : i32
      %select_n3A_14 = arith.select %select_n3A, %select_n3A_13, %select_n3A_12 : i32
      %eq3A = arith.constant -1 : i32
      %eq3A_15 = arith.cmpi eq, %select_n3A_14, %eq3A : i32
      %select_n3A_16 = arith.constant 78 : i32
      %select_n3A_17 = arith.select %eq3A_15, %select_n3A_16, %select_n3A_14 : i32
      %add3A_18 = arith.addi %select_n3A_17, %mul3A_6 : i32
      %select_n3A_19 = arith.constant true
      %select_n3A_20 = arith.constant 0 : i32
      %select_n3A_21 = arith.constant 1 : i32
      %select_n3A_22 = arith.select %select_n3A_19, %select_n3A_21, %select_n3A_20 : i32
      %eq3A_23 = arith.constant 79 : i32
      %eq3A_24 = arith.cmpi eq, %select_n3A_22, %eq3A_23 : i32
      %select_n3A_25 = arith.constant 0 : i32
      %select_n3A_26 = arith.select %eq3A_24, %select_n3A_25, %select_n3A_22 : i32
      %add3A_27 = arith.addi %select_n3A_26, %mul3A_6 : i32
      %add3A_28 = arith.constant 1 : i32
      %add3A_29 = arith.addi %select_n3A_26, %add3A_28 : i32
      %select_n3A_30 = arith.constant true
      %select_n3A_31 = arith.select %select_n3A_30, %add3A_29, %select_n3A_26 : i32
      %eq3A_32 = arith.constant 79 : i32
      %eq3A_33 = arith.cmpi eq, %select_n3A_31, %eq3A_32 : i32
      %select_n3A_34 = arith.constant 0 : i32
      %select_n3A_35 = arith.select %eq3A_33, %select_n3A_34, %select_n3A_31 : i32
      %add3A_36 = arith.addi %select_n3A_35, %mul3A_6 : i32
      "tpu.trace_start"() <{level = 10 : i32, message = "ep_initialize_0"}> : () -> ()
      %rem3A = arith.constant 0 : i32
      %rem3A_37 = arith.constant 2 : i32
      %rem3A_38 = arith.remui %rem3A, %rem3A_37 : i32
      %mul3A_39 = arith.constant 128 : i32
      %mul3A_40 = arith.muli %mul3A_39, %add3A_11 : i32
      %dma_start3A = arith.constant 0 : i32
      %dma_start3A_41 = arith.constant 0 : i32
      %dma_start3A_42 = tpu.memref_slice %run_scoped3A[%rem3A_38, %dma_start3A, %dma_start3A_41] : memref<2x1x128xi32, #tpu.memory_space<vmem>> -> memref<1x1x128xi32, #tpu.memory_space<vmem>>
      %dma_start3A_43 = tpu.memref_squeeze %dma_start3A_42 : memref<1x1x128xi32, #tpu.memory_space<vmem>> -> memref<1x128xi32, #tpu.memory_space<vmem>>
      %dma_start3A_44 = arith.constant 0 : i32
      %dma_start3A_45 = tpu.memref_slice %arg3[%dma_start3A_44, %mul3A_40] : memref<1x323584xi32, #tpu.memory_space<hbm>> -> memref<1x128xi32, #tpu.memory_space<hbm>>
      %dma_start3A_46 = tpu.memref_slice %run_scoped3A_7[%rem3A_38] : memref<2x!tpu.dma_semaphore, #tpu.memory_space<semaphore_mem>> -> memref<1x!tpu.dma_semaphore, #tpu.memory_space<semaphore_mem>>
      %dma_start3A_47 = tpu.memref_squeeze %dma_start3A_46 : memref<1x!tpu.dma_semaphore, #tpu.memory_space<semaphore_mem>> -> memref<!tpu.dma_semaphore, #tpu.memory_space<semaphore_mem>>
      %dma_start3A_48 = arith.constant 0 : i32
      %dma_start3A_49 = arith.constant 0 : i32
      %dma_start3A_50 = tpu.memref_slice %run_scoped3A[%rem3A_38, %dma_start3A_48, %dma_start3A_49] : memref<2x1x128xi32, #tpu.memory_space<vmem>> -> memref<1x1x128xi32, #tpu.memory_space<vmem>>
      %dma_start3A_51 = tpu.memref_squeeze %dma_start3A_50 : memref<1x1x128xi32, #tpu.memory_space<vmem>> -> memref<1x128xi32, #tpu.memory_space<vmem>>
      %dma_start3A_52 = arith.constant 0 : i32
      %dma_start3A_53 = tpu.memref_slice %arg3[%dma_start3A_52, %mul3A_40] : memref<1x323584xi32, #tpu.memory_space<hbm>> -> memref<1x128xi32, #tpu.memory_space<hbm>>
      tpu.enqueue_dma source(%dma_start3A_53 : memref<1x128xi32, #tpu.memory_space<hbm>>) target(%dma_start3A_51 : memref<1x128xi32, #tpu.memory_space<vmem>>) target_semaphore(%dma_start3A_47 : memref<!tpu.dma_semaphore, #tpu.memory_space<semaphore_mem>>)
      %add3A_54 = arith.constant 0 : i32
      %add3A_55 = arith.constant 1 : i32
      %add3A_56 = arith.addi %add3A_54, %add3A_55 : i32
      %select_n3A_57 = arith.constant true
      %select_n3A_58 = arith.constant 0 : i32
      %select_n3A_59 = arith.select %select_n3A_57, %add3A_56, %select_n3A_58 : i32
      "tpu.trace_stop"() : () -> ()
      %scan3A = arith.constant 0 : i32
      %scan3A_60 = arith.constant 0 : i32
      %scan3A_61 = arith.constant 0 : i32
      %scan3A_62 = arith.constant 0 : i32
      %scan3A_63 = arith.constant 0 : i32
      %scan3A_64 = arith.constant 79 : i32
      %scan3A_65 = arith.addi %scan3A_63, %scan3A_64 : i32
      %scan3A_66 = arith.constant 1 : i32
      %scan3A_67:5 = scf.for %scan3A_121 = %scan3A_63 to %scan3A_65 step %scan3A_66 iter_args(%scan3A_122 = %select_n3A_59, %scan3A_123 = %scan3A, %scan3A_124 = %scan3A_60, %scan3A_125 = %scan3A_61, %scan3A_126 = %scan3A_62) -> (i32, i32, i32, i32, i32)  : i32 {
        %eq3A_127 = arith.constant 0 : i32
        %eq3A_128 = arith.cmpi eq, %scan3A_121, %eq3A_127 : i32
        %eq3A_129 = arith.constant 78 : i32
        %eq3A_130 = arith.cmpi eq, %scan3A_121, %eq3A_129 : i32
        %add3A_131 = arith.addi %scan3A_126, %mul3A_6 : i32
        %sub3A_132 = arith.constant 1 : i32
        %sub3A_133 = arith.subi %scan3A_126, %sub3A_132 : i32
        %select_n3A_134 = arith.constant true
        %select_n3A_135 = arith.select %select_n3A_134, %sub3A_133, %scan3A_126 : i32
        %eq3A_136 = arith.constant -1 : i32
        %eq3A_137 = arith.cmpi eq, %select_n3A_135, %eq3A_136 : i32
        %select_n3A_138 = arith.constant 78 : i32
        %select_n3A_139 = arith.select %eq3A_137, %select_n3A_138, %select_n3A_135 : i32
        %add3A_140 = arith.addi %select_n3A_139, %mul3A_6 : i32
        %add3A_141 = arith.constant 1 : i32
        %add3A_142 = arith.addi %scan3A_126, %add3A_141 : i32
        %select_n3A_143 = arith.constant true
        %select_n3A_144 = arith.select %select_n3A_143, %add3A_142, %scan3A_126 : i32
        %eq3A_145 = arith.constant 79 : i32
        %eq3A_146 = arith.cmpi eq, %select_n3A_144, %eq3A_145 : i32
        %select_n3A_147 = arith.constant 0 : i32
        %select_n3A_148 = arith.select %eq3A_146, %select_n3A_147, %select_n3A_144 : i32
        %add3A_149 = arith.addi %select_n3A_148, %mul3A_6 : i32
        %add3A_150 = arith.constant 1 : i32
        %add3A_151 = arith.addi %select_n3A_148, %add3A_150 : i32
        %select_n3A_152 = arith.constant true
        %select_n3A_153 = arith.select %select_n3A_152, %add3A_151, %select_n3A_148 : i32
        %eq3A_154 = arith.constant 79 : i32
        %eq3A_155 = arith.cmpi eq, %select_n3A_153, %eq3A_154 : i32
        %select_n3A_156 = arith.constant 0 : i32
        %select_n3A_157 = arith.select %eq3A_155, %select_n3A_156, %select_n3A_153 : i32
        %add3A_158 = arith.addi %select_n3A_157, %mul3A_6 : i32
        %ne3A = arith.cmpi ne, %add3A_131, %add3A_149 : i32
        %or3A = arith.constant false
        %or3A_159 = arith.ori %or3A, %ne3A : i1
        %ge3A = arith.constant 78 : i32
        %ge3A_160 = arith.cmpi sge, %scan3A_121, %ge3A : i32
        %not3A = arith.constant true
        %not3A_161 = arith.xori %ge3A_160, %not3A : i1
        %and3A = arith.andi %or3A_159, %not3A_161 : i1
        %convert_element_type3A = arith.extui %and3A : i1 to i32
        %cond3A = arith.constant 0 : i32
        %cond3A_162 = arith.cmpi ne, %convert_element_type3A, %cond3A : i32
        scf.if %cond3A_162 {
          "tpu.trace_start"() <{level = 10 : i32, message = "ep_copy_in"}> : () -> ()
          %rem3A_264 = arith.constant 2 : i32
          %rem3A_265 = arith.remui %scan3A_122, %rem3A_264 : i32
          %mul3A_266 = arith.constant 128 : i32
          %mul3A_267 = arith.muli %mul3A_266, %add3A_149 : i32
          %dma_start3A_268 = arith.constant 0 : i32
          %dma_start3A_269 = arith.constant 0 : i32
          %dma_start3A_270 = tpu.memref_slice %run_scoped3A[%rem3A_265, %dma_start3A_268, %dma_start3A_269] : memref<2x1x128xi32, #tpu.memory_space<vmem>> -> memref<1x1x128xi32, #tpu.memory_space<vmem>>
          %dma_start3A_271 = tpu.memref_squeeze %dma_start3A_270 : memref<1x1x128xi32, #tpu.memory_space<vmem>> -> memref<1x128xi32, #tpu.memory_space<vmem>>
          %dma_start3A_272 = arith.constant 0 : i32
          %dma_start3A_273 = tpu.memref_slice %arg3[%dma_start3A_272, %mul3A_267] : memref<1x323584xi32, #tpu.memory_space<hbm>> -> memref<1x128xi32, #tpu.memory_space<hbm>>
          %dma_start3A_274 = tpu.memref_slice %run_scoped3A_7[%rem3A_265] : memref<2x!tpu.dma_semaphore, #tpu.memory_space<semaphore_mem>> -> memref<1x!tpu.dma_semaphore, #tpu.memory_space<semaphore_mem>>
          %dma_start3A_275 = tpu.memref_squeeze %dma_start3A_274 : memref<1x!tpu.dma_semaphore, #tpu.memory_space<semaphore_mem>> -> memref<!tpu.dma_semaphore, #tpu.memory_space<semaphore_mem>>
          %dma_start3A_276 = arith.constant 0 : i32
          %dma_start3A_277 = arith.constant 0 : i32
          %dma_start3A_278 = tpu.memref_slice %run_scoped3A[%rem3A_265, %dma_start3A_276, %dma_start3A_277] : memref<2x1x128xi32, #tpu.memory_space<vmem>> -> memref<1x1x128xi32, #tpu.memory_space<vmem>>
          %dma_start3A_279 = tpu.memref_squeeze %dma_start3A_278 : memref<1x1x128xi32, #tpu.memory_space<vmem>> -> memref<1x128xi32, #tpu.memory_space<vmem>>
          %dma_start3A_280 = arith.constant 0 : i32
          %dma_start3A_281 = tpu.memref_slice %arg3[%dma_start3A_280, %mul3A_267] : memref<1x323584xi32, #tpu.memory_space<hbm>> -> memref<1x128xi32, #tpu.memory_space<hbm>>
          tpu.enqueue_dma source(%dma_start3A_281 : memref<1x128xi32, #tpu.memory_space<hbm>>) target(%dma_start3A_279 : memref<1x128xi32, #tpu.memory_space<vmem>>) target_semaphore(%dma_start3A_275 : memref<!tpu.dma_semaphore, #tpu.memory_space<semaphore_mem>>)
          "tpu.trace_stop"() : () -> ()
        } else {
        }
        %and3A_163 = arith.constant true
        %and3A_164 = arith.andi %and3A, %and3A_163 : i1
        %add3A_165 = arith.constant 1 : i32
        %add3A_166 = arith.addi %scan3A_122, %add3A_165 : i32
        %select_n3A_167 = arith.select %and3A_164, %add3A_166, %scan3A_122 : i32
        %ne3A_168 = arith.cmpi ne, %add3A_131, %add3A_149 : i32
        %or3A_169 = arith.constant false
        %or3A_170 = arith.ori %or3A_169, %ne3A_168 : i1
        %or3A_171 = arith.constant false
        %or3A_172 = arith.ori %or3A_170, %or3A_171 : i1
        %ge3A_173 = arith.constant 78 : i32
        %ge3A_174 = arith.cmpi sge, %scan3A_121, %ge3A_173 : i32
        %not3A_175 = arith.constant true
        %not3A_176 = arith.xori %ge3A_174, %not3A_175 : i1
        %and3A_177 = arith.andi %or3A_172, %not3A_176 : i1
        %ne3A_178 = arith.cmpi ne, %add3A_131, %add3A_140 : i32
        %or3A_179 = arith.constant false
        %or3A_180 = arith.ori %or3A_179, %ne3A_178 : i1
        %or3A_181 = arith.ori %or3A_180, %eq3A_128 : i1
        %convert_element_type3A_182 = arith.extui %or3A_181 : i1 to i32
        %cond3A_183 = arith.constant 0 : i32
        %cond3A_184 = arith.cmpi ne, %convert_element_type3A_182, %cond3A_183 : i32
        scf.if %cond3A_184 {
          "tpu.trace_start"() <{level = 10 : i32, message = "ep_wait_in"}> : () -> ()
          %mul3A_264 = arith.constant 128 : i32
          %mul3A_265 = arith.muli %mul3A_264, %add3A_131 : i32
          %rem3A_266 = arith.constant 2 : i32
          %rem3A_267 = arith.remui %scan3A_123, %rem3A_266 : i32
          %dma_wait3A_268 = arith.constant 0 : i32
          %dma_wait3A_269 = arith.constant 0 : i32
          %dma_wait3A_270 = tpu.memref_slice %run_scoped3A[%rem3A_267, %dma_wait3A_268, %dma_wait3A_269] : memref<2x1x128xi32, #tpu.memory_space<vmem>> -> memref<1x1x128xi32, #tpu.memory_space<vmem>>
          %dma_wait3A_271 = tpu.memref_squeeze %dma_wait3A_270 : memref<1x1x128xi32, #tpu.memory_space<vmem>> -> memref<1x128xi32, #tpu.memory_space<vmem>>
          %dma_wait3A_272 = arith.constant 0 : i32
          %dma_wait3A_273 = tpu.memref_slice %arg3[%dma_wait3A_272, %mul3A_265] : memref<1x323584xi32, #tpu.memory_space<hbm>> -> memref<1x128xi32, #tpu.memory_space<hbm>>
          %dma_wait3A_274 = tpu.memref_slice %run_scoped3A_7[%rem3A_267] : memref<2x!tpu.dma_semaphore, #tpu.memory_space<semaphore_mem>> -> memref<1x!tpu.dma_semaphore, #tpu.memory_space<semaphore_mem>>
          %dma_wait3A_275 = tpu.memref_squeeze %dma_wait3A_274 : memref<1x!tpu.dma_semaphore, #tpu.memory_space<semaphore_mem>> -> memref<!tpu.dma_semaphore, #tpu.memory_space<semaphore_mem>>
          %dma_wait3A_276 = arith.constant 0 : i32
          %dma_wait3A_277 = arith.constant 0 : i32
          %dma_wait3A_278 = tpu.memref_slice %run_scoped3A[%rem3A_267, %dma_wait3A_276, %dma_wait3A_277] : memref<2x1x128xi32, #tpu.memory_space<vmem>> -> memref<1x1x128xi32, #tpu.memory_space<vmem>>
          %dma_wait3A_279 = tpu.memref_squeeze %dma_wait3A_278 : memref<1x1x128xi32, #tpu.memory_space<vmem>> -> memref<1x128xi32, #tpu.memory_space<vmem>>
          %dma_wait3A_280 = arith.constant 0 : i32
          %dma_wait3A_281 = tpu.memref_slice %arg3[%dma_wait3A_280, %mul3A_265] : memref<1x323584xi32, #tpu.memory_space<hbm>> -> memref<1x128xi32, #tpu.memory_space<hbm>>
          tpu.wait_dma2 semaphore(%dma_wait3A_275 : memref<!tpu.dma_semaphore, #tpu.memory_space<semaphore_mem>>) src(%dma_wait3A_281 : memref<1x128xi32, #tpu.memory_space<hbm>>) dst(%dma_wait3A_279 : memref<1x128xi32, #tpu.memory_space<vmem>>)
          "tpu.trace_stop"() : () -> ()
        } else {
        }
        %ne3A_185 = arith.cmpi ne, %add3A_131, %add3A_140 : i32
        %or3A_186 = arith.constant false
        %or3A_187 = arith.ori %or3A_186, %ne3A_185 : i1
        %or3A_188 = arith.constant false
        %or3A_189 = arith.ori %or3A_187, %or3A_188 : i1
        %or3A_190 = arith.ori %or3A_189, %eq3A_128 : i1
        %convert_element_type3A_191 = arith.extui %or3A_190 : i1 to i32
        %cond3A_192 = arith.constant 0 : i32
        %cond3A_193 = arith.cmpi ne, %convert_element_type3A_191, %cond3A_192 : i32
        scf.if %cond3A_193 {
        } else {
        }
        %rem3A_194 = arith.constant 2 : i32
        %rem3A_195 = arith.remui %scan3A_123, %rem3A_194 : i32
        %rem3A_196 = arith.constant 2 : i32
        %rem3A_197 = arith.remui %scan3A_124, %rem3A_196 : i32
        %run_scoped3A_198 = arith.constant 0 : i32
        "tpu.trace_start"() <{level = 10 : i32, message = "ep_run_kernel"}> : () -> ()
        "tpu.region"() ({
          %run_scoped3A_264 = tpu.sem_alloc : memref<!tpu.dma_semaphore, #tpu.memory_space<semaphore_mem>>
          %dma_start3A_265 = arith.constant 0 : i32
          %dma_start3A_266 = arith.constant 0 : i32
          %dma_start3A_267 = tpu.memref_slice %run_scoped3A_8[%rem3A_197, %dma_start3A_265, %dma_start3A_266] : memref<2x128x16xf32, #tpu.memory_space<vmem>> -> memref<1x128x16xf32, #tpu.memory_space<vmem>>
          %dma_start3A_268 = tpu.memref_squeeze %dma_start3A_267 : memref<1x128x16xf32, #tpu.memory_space<vmem>> -> memref<128x16xf32, #tpu.memory_space<vmem>>
          %dma_start3A_269 = arith.constant 0 : i32
          %dma_start3A_270 = arith.constant 0 : i32
          %dma_start3A_271 = tpu.memref_slice %run_scoped3A[%rem3A_195, %dma_start3A_269, %dma_start3A_270] : memref<2x1x128xi32, #tpu.memory_space<vmem>> -> memref<1x1x128xi32, #tpu.memory_space<vmem>>
          %dma_start3A_272 = tpu.memref_squeeze %dma_start3A_271 : memref<1x1x128xi32, #tpu.memory_space<vmem>> -> memref<1x128xi32, #tpu.memory_space<vmem>>
          %dma_start3A_273 = arith.constant 0 : i32
          %dma_start3A_274 = tpu.memref_slice %dma_start3A_272[%run_scoped3A_198, %dma_start3A_273] : memref<1x128xi32, #tpu.memory_space<vmem>> -> memref<1x128xi32, #tpu.memory_space<vmem>>
          %dma_start3A_275 = tpu.memref_squeeze %dma_start3A_274 : memref<1x128xi32, #tpu.memory_space<vmem>> -> memref<128xi32, #tpu.memory_space<vmem>>
          %dma_start3A_276 = arith.constant 0 : i32
          %dma_start3A_277 = arith.constant 0 : i32
          %dma_start3A_278 = tpu.memref_slice %arg2[%dma_start3A_276, %dma_start3A_277] : memref<10000x16xf32, #tpu.memory_space<hbm>> -> memref<10000x16xf32, #tpu.memory_space<hbm>>
          tpu.enqueue_indirect_dma source(%dma_start3A_278 : memref<10000x16xf32, #tpu.memory_space<hbm>>) target(%dma_start3A_268 : memref<128x16xf32, #tpu.memory_space<vmem>>) offsets(%dma_start3A_275 : memref<128xi32, #tpu.memory_space<vmem>>) semaphore(%run_scoped3A_264 : memref<!tpu.dma_semaphore, #tpu.memory_space<semaphore_mem>>)
          %dma_wait3A_279 = arith.constant 0 : i32
          %dma_wait3A_280 = arith.constant 0 : i32
          %dma_wait3A_281 = tpu.memref_slice %run_scoped3A_8[%rem3A_197, %dma_wait3A_279, %dma_wait3A_280] : memref<2x128x16xf32, #tpu.memory_space<vmem>> -> memref<1x128x16xf32, #tpu.memory_space<vmem>>
          %dma_wait3A_282 = tpu.memref_squeeze %dma_wait3A_281 : memref<1x128x16xf32, #tpu.memory_space<vmem>> -> memref<128x16xf32, #tpu.memory_space<vmem>>
          %dma_wait3A_283 = arith.constant 0 : i32
          %dma_wait3A_284 = arith.constant 0 : i32
          %dma_wait3A_285 = tpu.memref_slice %run_scoped3A[%rem3A_195, %dma_wait3A_283, %dma_wait3A_284] : memref<2x1x128xi32, #tpu.memory_space<vmem>> -> memref<1x1x128xi32, #tpu.memory_space<vmem>>
          %dma_wait3A_286 = tpu.memref_squeeze %dma_wait3A_285 : memref<1x1x128xi32, #tpu.memory_space<vmem>> -> memref<1x128xi32, #tpu.memory_space<vmem>>
          %dma_wait3A_287 = arith.constant 0 : i32
          %dma_wait3A_288 = tpu.memref_slice %dma_wait3A_286[%run_scoped3A_198, %dma_wait3A_287] : memref<1x128xi32, #tpu.memory_space<vmem>> -> memref<1x128xi32, #tpu.memory_space<vmem>>
          %dma_wait3A_289 = tpu.memref_squeeze %dma_wait3A_288 : memref<1x128xi32, #tpu.memory_space<vmem>> -> memref<128xi32, #tpu.memory_space<vmem>>
          %dma_wait3A_290 = arith.constant 0 : i32
          %dma_wait3A_291 = arith.constant 0 : i32
          %dma_wait3A_292 = tpu.memref_slice %arg2[%dma_wait3A_290, %dma_wait3A_291] : memref<10000x16xf32, #tpu.memory_space<hbm>> -> memref<10000x16xf32, #tpu.memory_space<hbm>>
          tpu.wait_indirect_dma semaphore(%run_scoped3A_264 : memref<!tpu.dma_semaphore, #tpu.memory_space<semaphore_mem>>) src(%dma_wait3A_292 : memref<10000x16xf32, #tpu.memory_space<hbm>>) dst(%dma_wait3A_282 : memref<128x16xf32, #tpu.memory_space<vmem>>)
          tpu.yield
        }) : () -> ()
        "tpu.trace_stop"() : () -> ()
        %ne3A_199 = arith.cmpi ne, %add3A_131, %add3A_149 : i32
        %or3A_200 = arith.constant false
        %or3A_201 = arith.ori %or3A_200, %ne3A_199 : i1
        %or3A_202 = arith.ori %or3A_201, %eq3A_130 : i1
        %convert_element_type3A_203 = arith.extui %or3A_202 : i1 to i32
        %cond3A_204 = arith.constant 0 : i32
        %cond3A_205 = arith.cmpi ne, %convert_element_type3A_203, %cond3A_204 : i32
        scf.if %cond3A_205 {
        } else {
        }
        %and3A_206 = arith.constant false
        %and3A_207 = arith.andi %or3A_202, %and3A_206 : i1
        %ne3A_208 = arith.cmpi ne, %add3A_131, %add3A_149 : i32
        %or3A_209 = arith.constant false
        %or3A_210 = arith.ori %or3A_209, %ne3A_208 : i1
        %or3A_211 = arith.constant false
        %or3A_212 = arith.ori %or3A_210, %or3A_211 : i1
        %or3A_213 = arith.ori %or3A_212, %eq3A_130 : i1
        %convert_element_type3A_214 = arith.extui %or3A_213 : i1 to i32
        %cond3A_215 = arith.constant 0 : i32
        %cond3A_216 = arith.cmpi ne, %convert_element_type3A_214, %cond3A_215 : i32
        scf.if %cond3A_216 {
          "tpu.trace_start"() <{level = 10 : i32, message = "ep_copy_out"}> : () -> ()
          %rem3A_264 = arith.constant 2 : i32
          %rem3A_265 = arith.remui %scan3A_124, %rem3A_264 : i32
          %mul3A_266 = arith.constant 128 : i32
          %mul3A_267 = arith.muli %mul3A_266, %add3A_131 : i32
          %dma_start3A_268 = arith.constant 0 : i32
          %dma_start3A_269 = arith.constant 0 : i32
          %dma_start3A_270 = tpu.memref_slice %run_scoped3A_8[%rem3A_265, %dma_start3A_268, %dma_start3A_269] : memref<2x128x16xf32, #tpu.memory_space<vmem>> -> memref<1x128x16xf32, #tpu.memory_space<vmem>>
          %dma_start3A_271 = tpu.memref_squeeze %dma_start3A_270 : memref<1x128x16xf32, #tpu.memory_space<vmem>> -> memref<128x16xf32, #tpu.memory_space<vmem>>
          %dma_start3A_272 = arith.constant 0 : i32
          %dma_start3A_273 = tpu.memref_slice %arg4[%mul3A_267, %dma_start3A_272] : memref<323584x16xf32, #tpu.memory_space<hbm>> -> memref<128x16xf32, #tpu.memory_space<hbm>>
          %dma_start3A_274 = tpu.memref_slice %run_scoped3A_9[%rem3A_265] : memref<2x!tpu.dma_semaphore, #tpu.memory_space<semaphore_mem>> -> memref<1x!tpu.dma_semaphore, #tpu.memory_space<semaphore_mem>>
          %dma_start3A_275 = tpu.memref_squeeze %dma_start3A_274 : memref<1x!tpu.dma_semaphore, #tpu.memory_space<semaphore_mem>> -> memref<!tpu.dma_semaphore, #tpu.memory_space<semaphore_mem>>
          %dma_start3A_276 = arith.constant 0 : i32
          %dma_start3A_277 = tpu.memref_slice %arg4[%mul3A_267, %dma_start3A_276] : memref<323584x16xf32, #tpu.memory_space<hbm>> -> memref<128x16xf32, #tpu.memory_space<hbm>>
          %dma_start3A_278 = arith.constant 0 : i32
          %dma_start3A_279 = arith.constant 0 : i32
          %dma_start3A_280 = tpu.memref_slice %run_scoped3A_8[%rem3A_265, %dma_start3A_278, %dma_start3A_279] : memref<2x128x16xf32, #tpu.memory_space<vmem>> -> memref<1x128x16xf32, #tpu.memory_space<vmem>>
          %dma_start3A_281 = tpu.memref_squeeze %dma_start3A_280 : memref<1x128x16xf32, #tpu.memory_space<vmem>> -> memref<128x16xf32, #tpu.memory_space<vmem>>
          tpu.enqueue_dma source(%dma_start3A_281 : memref<128x16xf32, #tpu.memory_space<vmem>>) target(%dma_start3A_277 : memref<128x16xf32, #tpu.memory_space<hbm>>) target_semaphore(%dma_start3A_275 : memref<!tpu.dma_semaphore, #tpu.memory_space<semaphore_mem>>)
          "tpu.trace_stop"() : () -> ()
        } else {
        }
        %and3A_217 = arith.constant true
        %and3A_218 = arith.andi %or3A_213, %and3A_217 : i1
        %add3A_219 = arith.constant 1 : i32
        %add3A_220 = arith.addi %scan3A_124, %add3A_219 : i32
        %select_n3A_221 = arith.select %and3A_218, %add3A_220, %scan3A_124 : i32
        %ne3A_222 = arith.cmpi ne, %add3A_131, %add3A_140 : i32
        %or3A_223 = arith.constant false
        %or3A_224 = arith.ori %or3A_223, %ne3A_222 : i1
        %not3A_225 = arith.constant true
        %not3A_226 = arith.xori %eq3A_128, %not3A_225 : i1
        %and3A_227 = arith.andi %or3A_224, %not3A_226 : i1
        %convert_element_type3A_228 = arith.extui %and3A_227 : i1 to i32
        %cond3A_229 = arith.constant 0 : i32
        %cond3A_230 = arith.cmpi ne, %convert_element_type3A_228, %cond3A_229 : i32
        scf.if %cond3A_230 {
        } else {
        }
        %and3A_231 = arith.constant false
        %and3A_232 = arith.andi %and3A_227, %and3A_231 : i1
        %ne3A_233 = arith.cmpi ne, %add3A_131, %add3A_140 : i32
        %or3A_234 = arith.constant false
        %or3A_235 = arith.ori %or3A_234, %ne3A_233 : i1
        %or3A_236 = arith.constant false
        %or3A_237 = arith.ori %or3A_235, %or3A_236 : i1
        %not3A_238 = arith.constant true
        %not3A_239 = arith.xori %eq3A_128, %not3A_238 : i1
        %and3A_240 = arith.andi %or3A_237, %not3A_239 : i1
        %convert_element_type3A_241 = arith.extui %and3A_240 : i1 to i32
        %cond3A_242 = arith.constant 0 : i32
        %cond3A_243 = arith.cmpi ne, %convert_element_type3A_241, %cond3A_242 : i32
        scf.if %cond3A_243 {
          "tpu.trace_start"() <{level = 10 : i32, message = "ep_wait_out"}> : () -> ()
          %rem3A_264 = arith.constant 2 : i32
          %rem3A_265 = arith.remui %scan3A_125, %rem3A_264 : i32
          %mul3A_266 = arith.constant 128 : i32
          %mul3A_267 = arith.muli %mul3A_266, %add3A_140 : i32
          %dma_wait3A_268 = arith.constant 0 : i32
          %dma_wait3A_269 = arith.constant 0 : i32
          %dma_wait3A_270 = tpu.memref_slice %run_scoped3A_8[%rem3A_265, %dma_wait3A_268, %dma_wait3A_269] : memref<2x128x16xf32, #tpu.memory_space<vmem>> -> memref<1x128x16xf32, #tpu.memory_space<vmem>>
          %dma_wait3A_271 = tpu.memref_squeeze %dma_wait3A_270 : memref<1x128x16xf32, #tpu.memory_space<vmem>> -> memref<128x16xf32, #tpu.memory_space<vmem>>
          %dma_wait3A_272 = arith.constant 0 : i32
          %dma_wait3A_273 = tpu.memref_slice %arg4[%mul3A_267, %dma_wait3A_272] : memref<323584x16xf32, #tpu.memory_space<hbm>> -> memref<128x16xf32, #tpu.memory_space<hbm>>
          %dma_wait3A_274 = tpu.memref_slice %run_scoped3A_9[%rem3A_265] : memref<2x!tpu.dma_semaphore, #tpu.memory_space<semaphore_mem>> -> memref<1x!tpu.dma_semaphore, #tpu.memory_space<semaphore_mem>>
          %dma_wait3A_275 = tpu.memref_squeeze %dma_wait3A_274 : memref<1x!tpu.dma_semaphore, #tpu.memory_space<semaphore_mem>> -> memref<!tpu.dma_semaphore, #tpu.memory_space<semaphore_mem>>
          %dma_wait3A_276 = arith.constant 0 : i32
          %dma_wait3A_277 = tpu.memref_slice %arg4[%mul3A_267, %dma_wait3A_276] : memref<323584x16xf32, #tpu.memory_space<hbm>> -> memref<128x16xf32, #tpu.memory_space<hbm>>
          %dma_wait3A_278 = arith.constant 0 : i32
          %dma_wait3A_279 = arith.constant 0 : i32
          %dma_wait3A_280 = tpu.memref_slice %run_scoped3A_8[%rem3A_265, %dma_wait3A_278, %dma_wait3A_279] : memref<2x128x16xf32, #tpu.memory_space<vmem>> -> memref<1x128x16xf32, #tpu.memory_space<vmem>>
          %dma_wait3A_281 = tpu.memref_squeeze %dma_wait3A_280 : memref<1x128x16xf32, #tpu.memory_space<vmem>> -> memref<128x16xf32, #tpu.memory_space<vmem>>
          tpu.wait_dma2 semaphore(%dma_wait3A_275 : memref<!tpu.dma_semaphore, #tpu.memory_space<semaphore_mem>>) src(%dma_wait3A_281 : memref<128x16xf32, #tpu.memory_space<vmem>>) dst(%dma_wait3A_277 : memref<128x16xf32, #tpu.memory_space<hbm>>)
          "tpu.trace_stop"() : () -> ()
        } else {
        }
        %and3A_244 = arith.constant true
        %and3A_245 = arith.andi %and3A_240, %and3A_244 : i1
        %add3A_246 = arith.constant 1 : i32
        %add3A_247 = arith.addi %scan3A_125, %add3A_246 : i32
        %select_n3A_248 = arith.select %and3A_245, %add3A_247, %scan3A_125 : i32
        %ne3A_249 = arith.cmpi ne, %add3A_131, %add3A_149 : i32
        %or3A_250 = arith.constant false
        %or3A_251 = arith.ori %or3A_250, %ne3A_249 : i1
        %or3A_252 = arith.ori %or3A_251, %eq3A_130 : i1
        %add3A_253 = arith.constant 1 : i32
        %add3A_254 = arith.addi %scan3A_123, %add3A_253 : i32
        %select_n3A_255 = arith.select %or3A_252, %add3A_254, %scan3A_123 : i32
        %add3A_256 = arith.constant 1 : i32
        %add3A_257 = arith.addi %scan3A_126, %add3A_256 : i32
        %select_n3A_258 = arith.constant true
        %select_n3A_259 = arith.select %select_n3A_258, %add3A_257, %scan3A_126 : i32
        %eq3A_260 = arith.constant 79 : i32
        %eq3A_261 = arith.cmpi eq, %select_n3A_259, %eq3A_260 : i32
        %select_n3A_262 = arith.constant 0 : i32
        %select_n3A_263 = arith.select %eq3A_261, %select_n3A_262, %select_n3A_259 : i32
        scf.yield %select_n3A_167, %select_n3A_255, %select_n3A_221, %select_n3A_248, %select_n3A_263 : i32, i32, i32, i32, i32
      }
      %scan3A_68 = arith.constant 79 : i32
      %sub3A = arith.constant 1 : i32
      %sub3A_69 = arith.subi %scan3A_67#4, %sub3A : i32
      %select_n3A_70 = arith.constant true
      %select_n3A_71 = arith.select %select_n3A_70, %sub3A_69, %scan3A_67#4 : i32
      %eq3A_72 = arith.constant -1 : i32
      %eq3A_73 = arith.cmpi eq, %select_n3A_71, %eq3A_72 : i32
      %select_n3A_74 = arith.constant 78 : i32
      %select_n3A_75 = arith.select %eq3A_73, %select_n3A_74, %select_n3A_71 : i32
      %add3A_76 = arith.addi %select_n3A_75, %mul3A_6 : i32
      %sub3A_77 = arith.constant 1 : i32
      %sub3A_78 = arith.subi %select_n3A_75, %sub3A_77 : i32
      %select_n3A_79 = arith.constant true
      %select_n3A_80 = arith.select %select_n3A_79, %sub3A_78, %select_n3A_75 : i32
      %eq3A_81 = arith.constant -1 : i32
      %eq3A_82 = arith.cmpi eq, %select_n3A_80, %eq3A_81 : i32
      %select_n3A_83 = arith.constant 78 : i32
      %select_n3A_84 = arith.select %eq3A_82, %select_n3A_83, %select_n3A_80 : i32
      %add3A_85 = arith.addi %select_n3A_84, %mul3A_6 : i32
      %add3A_86 = arith.constant 1 : i32
      %add3A_87 = arith.addi %select_n3A_75, %add3A_86 : i32
      %select_n3A_88 = arith.constant true
      %select_n3A_89 = arith.select %select_n3A_88, %add3A_87, %select_n3A_75 : i32
      %eq3A_90 = arith.constant 79 : i32
      %eq3A_91 = arith.cmpi eq, %select_n3A_89, %eq3A_90 : i32
      %select_n3A_92 = arith.constant 0 : i32
      %select_n3A_93 = arith.select %eq3A_91, %select_n3A_92, %select_n3A_89 : i32
      %add3A_94 = arith.addi %select_n3A_93, %mul3A_6 : i32
      %add3A_95 = arith.constant 1 : i32
      %add3A_96 = arith.addi %select_n3A_93, %add3A_95 : i32
      %select_n3A_97 = arith.constant true
      %select_n3A_98 = arith.select %select_n3A_97, %add3A_96, %select_n3A_93 : i32
      %eq3A_99 = arith.constant 79 : i32
      %eq3A_100 = arith.cmpi eq, %select_n3A_98, %eq3A_99 : i32
      %select_n3A_101 = arith.constant 0 : i32
      %select_n3A_102 = arith.select %eq3A_100, %select_n3A_101, %select_n3A_98 : i32
      %add3A_103 = arith.addi %select_n3A_102, %mul3A_6 : i32
      "tpu.trace_start"() <{level = 10 : i32, message = "ep_finalize"}> : () -> ()
      %rem3A_104 = arith.constant 2 : i32
      %rem3A_105 = arith.remui %scan3A_67#3, %rem3A_104 : i32
      %mul3A_106 = arith.constant 128 : i32
      %mul3A_107 = arith.muli %mul3A_106, %add3A_76 : i32
      %dma_wait3A = arith.constant 0 : i32
      %dma_wait3A_108 = arith.constant 0 : i32
      %dma_wait3A_109 = tpu.memref_slice %run_scoped3A_8[%rem3A_105, %dma_wait3A, %dma_wait3A_108] : memref<2x128x16xf32, #tpu.memory_space<vmem>> -> memref<1x128x16xf32, #tpu.memory_space<vmem>>
      %dma_wait3A_110 = tpu.memref_squeeze %dma_wait3A_109 : memref<1x128x16xf32, #tpu.memory_space<vmem>> -> memref<128x16xf32, #tpu.memory_space<vmem>>
      %dma_wait3A_111 = arith.constant 0 : i32
      %dma_wait3A_112 = tpu.memref_slice %arg4[%mul3A_107, %dma_wait3A_111] : memref<323584x16xf32, #tpu.memory_space<hbm>> -> memref<128x16xf32, #tpu.memory_space<hbm>>
      %dma_wait3A_113 = tpu.memref_slice %run_scoped3A_9[%rem3A_105] : memref<2x!tpu.dma_semaphore, #tpu.memory_space<semaphore_mem>> -> memref<1x!tpu.dma_semaphore, #tpu.memory_space<semaphore_mem>>
      %dma_wait3A_114 = tpu.memref_squeeze %dma_wait3A_113 : memref<1x!tpu.dma_semaphore, #tpu.memory_space<semaphore_mem>> -> memref<!tpu.dma_semaphore, #tpu.memory_space<semaphore_mem>>
      %dma_wait3A_115 = arith.constant 0 : i32
      %dma_wait3A_116 = tpu.memref_slice %arg4[%mul3A_107, %dma_wait3A_115] : memref<323584x16xf32, #tpu.memory_space<hbm>> -> memref<128x16xf32, #tpu.memory_space<hbm>>
      %dma_wait3A_117 = arith.constant 0 : i32
      %dma_wait3A_118 = arith.constant 0 : i32
      %dma_wait3A_119 = tpu.memref_slice %run_scoped3A_8[%rem3A_105, %dma_wait3A_117, %dma_wait3A_118] : memref<2x128x16xf32, #tpu.memory_space<vmem>> -> memref<1x128x16xf32, #tpu.memory_space<vmem>>
      %dma_wait3A_120 = tpu.memref_squeeze %dma_wait3A_119 : memref<1x128x16xf32, #tpu.memory_space<vmem>> -> memref<128x16xf32, #tpu.memory_space<vmem>>
      tpu.wait_dma2 semaphore(%dma_wait3A_114 : memref<!tpu.dma_semaphore, #tpu.memory_space<semaphore_mem>>) src(%dma_wait3A_120 : memref<128x16xf32, #tpu.memory_space<vmem>>) dst(%dma_wait3A_116 : memref<128x16xf32, #tpu.memory_space<hbm>>)
      "tpu.trace_stop"() : () -> ()
      tpu.yield
    }) : () -> ()
    return
  }
}

module attributes {stable_mosaic.version = 14 : i64} {
  func.func @body(%arg0: i32, %arg1: memref<4096x16xf32, #tpu.memory_space<vmem>>, %arg2: memref<4096x16xf32, #tpu.memory_space<vmem>>, %arg3: memref<4096x1xf32, #tpu.memory_space<vmem>>, %arg4: memref<16x256xf32, #tpu.memory_space<vmem>>, %arg5: memref<1x256xf32, #tpu.memory_space<vmem>>, %arg6: memref<256x16xf32, #tpu.memory_space<vmem>>, %arg7: memref<16x256xf32, #tpu.memory_space<vmem>>, %arg8: memref<4096x16xf32, #tpu.memory_space<vmem>>) attributes {dimension_semantics = [#tpu.dimension_semantics<arbitrary>], iteration_bounds = array<i64: 79>, scalar_prefetch = 0 : i64, scratch_operands = 0 : i64, tpu.core_type = #tpu.core_type<tc>, window_params = [{transform_indices = @transform_0, window_bounds = array<i64: 4096, 16>}, {transform_indices = @transform_1, window_bounds = array<i64: 4096, 16>}, {transform_indices = @transform_2, window_bounds = array<i64: 4096, 1>}, {pipeline_mode = #tpu.pipeline_mode<synchronous>, transform_indices = @transform_3, window_bounds = array<i64: 16, 256>}, {pipeline_mode = #tpu.pipeline_mode<synchronous>, transform_indices = @transform_4, window_bounds = array<i64: 1, 256>}, {pipeline_mode = #tpu.pipeline_mode<synchronous>, transform_indices = @transform_5, window_bounds = array<i64: 256, 16>}, {pipeline_mode = #tpu.pipeline_mode<synchronous>, transform_indices = @transform_6, window_bounds = array<i64: 16, 256>}, {transform_indices = @transform_7, window_bounds = array<i64: 4096, 16>}]} {
    %get3A = arith.constant 0 : index
    %get3A_0 = arith.constant 0 : index
    %get3A_1 = vector.load %arg1[%get3A, %get3A_0] : memref<4096x16xf32, #tpu.memory_space<vmem>>, vector<4096x16xf32>
    %get3A_2 = arith.constant 0 : index
    %get3A_3 = arith.constant 0 : index
    %get3A_4 = vector.load %arg4[%get3A_2, %get3A_3] : memref<16x256xf32, #tpu.memory_space<vmem>>, vector<16x256xf32>
    %dot_general3A = arith.constant dense<0.000000e+00> : vector<4096x256xf32>
    %dot_general3A_5 = tpu.matmul %get3A_1, %get3A_4, %dot_general3A {dimension_numbers = #tpu.dot_dimension_numbers<[1], [0], [0], [1], [0, 0, 1, 1], [], []>, transpose_lhs_hint = false} : vector<4096x16xf32>, vector<16x256xf32>, vector<4096x256xf32> -> vector<4096x256xf32>
    %get3A_6 = arith.constant 0 : index
    %get3A_7 = arith.constant 0 : index
    %get3A_8 = vector.load %arg5[%get3A_6, %get3A_7] : memref<1x256xf32, #tpu.memory_space<vmem>>, vector<1x256xf32>
    %add3A = vector.broadcast %get3A_8 : vector<1x256xf32> to vector<4096x256xf32>
    %add3A_9 = arith.addf %dot_general3A_5, %add3A : vector<4096x256xf32>
    %get3A_10 = arith.constant 0 : index
    %get3A_11 = arith.constant 0 : index
    %get3A_12 = vector.load %arg2[%get3A_10, %get3A_11] : memref<4096x16xf32, #tpu.memory_space<vmem>>, vector<4096x16xf32>
    %get3A_13 = arith.constant 0 : index
    %get3A_14 = arith.constant 0 : index
    %get3A_15 = vector.load %arg3[%get3A_13, %get3A_14] : memref<4096x1xf32, #tpu.memory_space<vmem>>, vector<4096x1xf32>
    %mul3A = vector.broadcast %get3A_15 : vector<4096x1xf32> to vector<4096x16xf32>
    %mul3A_16 = arith.mulf %get3A_12, %mul3A : vector<4096x16xf32>
    %get3A_17 = arith.constant 0 : index
    %get3A_18 = arith.constant 0 : index
    %get3A_19 = vector.load %arg7[%get3A_17, %get3A_18] : memref<16x256xf32, #tpu.memory_space<vmem>>, vector<16x256xf32>
    %dot_general3A_20 = arith.constant dense<0.000000e+00> : vector<4096x256xf32>
    %dot_general3A_21 = tpu.matmul %mul3A_16, %get3A_19, %dot_general3A_20 {dimension_numbers = #tpu.dot_dimension_numbers<[1], [0], [0], [1], [0, 0, 1, 1], [], []>, transpose_lhs_hint = false} : vector<4096x16xf32>, vector<16x256xf32>, vector<4096x256xf32> -> vector<4096x256xf32>
    %mul3A_22 = arith.mulf %add3A_9, %dot_general3A_21 : vector<4096x256xf32>
    %get3A_23 = arith.constant 0 : index
    %get3A_24 = arith.constant 0 : index
    %get3A_25 = vector.load %arg6[%get3A_23, %get3A_24] : memref<256x16xf32, #tpu.memory_space<vmem>>, vector<256x16xf32>
    %dot_general3A_26 = arith.constant dense<0.000000e+00> : vector<4096x16xf32>
    %dot_general3A_27 = tpu.matmul %mul3A_22, %get3A_25, %dot_general3A_26 {dimension_numbers = #tpu.dot_dimension_numbers<[1], [0], [0], [1], [0, 0, 1, 1], [], []>, transpose_lhs_hint = false} : vector<4096x256xf32>, vector<256x16xf32>, vector<4096x16xf32> -> vector<4096x16xf32>
    %swap3A = arith.constant 0 : index
    %swap3A_28 = arith.constant 0 : index
    %swap3A_29 = vector.load %arg8[%swap3A, %swap3A_28] : memref<4096x16xf32, #tpu.memory_space<vmem>>, vector<4096x16xf32>
    tpu.vector_store %arg8[%swap3A, %swap3A_28], %dot_general3A_27 {strides = array<i32>} : memref<4096x16xf32, #tpu.memory_space<vmem>>, vector<4096x16xf32>,
    return
  }
  func.func @transform_0(%arg0: i32) -> (i32, i32) {
    %c0_i32 = arith.constant 0 : i32
    %c0_i32_0 = arith.constant 0 : i32
    return %arg0, %c0_i32 : i32, i32
  }
  func.func @transform_1(%arg0: i32) -> (i32, i32) {
    %c0_i32 = arith.constant 0 : i32
    %c0_i32_0 = arith.constant 0 : i32
    return %arg0, %c0_i32 : i32, i32
  }
  func.func @transform_2(%arg0: i32) -> (i32, i32) {
    %c0_i32 = arith.constant 0 : i32
    %c0_i32_0 = arith.constant 0 : i32
    return %arg0, %c0_i32 : i32, i32
  }
  func.func @transform_3(%arg0: i32) -> (i32, i32) {
    %c0_i32 = arith.constant 0 : i32
    %c0_i32_0 = arith.constant 0 : i32
    %c0_i32_1 = arith.constant 0 : i32
    return %c0_i32, %c0_i32_0 : i32, i32
  }
  func.func @transform_4(%arg0: i32) -> (i32, i32) {
    %c0_i32 = arith.constant 0 : i32
    %c0_i32_0 = arith.constant 0 : i32
    %c0_i32_1 = arith.constant 0 : i32
    return %c0_i32, %c0_i32_0 : i32, i32
  }
  func.func @transform_5(%arg0: i32) -> (i32, i32) {
    %c0_i32 = arith.constant 0 : i32
    %c0_i32_0 = arith.constant 0 : i32
    %c0_i32_1 = arith.constant 0 : i32
    return %c0_i32, %c0_i32_0 : i32, i32
  }
  func.func @transform_6(%arg0: i32) -> (i32, i32) {
    %c0_i32 = arith.constant 0 : i32
    %c0_i32_0 = arith.constant 0 : i32
    %c0_i32_1 = arith.constant 0 : i32
    return %c0_i32, %c0_i32_0 : i32, i32
  }
  func.func @transform_7(%arg0: i32) -> (i32, i32) {
    %c0_i32 = arith.constant 0 : i32
    %c0_i32_0 = arith.constant 0 : i32
    return %arg0, %c0_i32 : i32, i32
  }
}

module attributes {stable_mosaic.version = 14 : i64} {
  func.func @body(%arg0: memref<2x10000x16xf32, #tpu.memory_space<vmem>>, %arg1: memref<10000x16xf32, #tpu.memory_space<vmem>>) attributes {dimension_semantics = [], scalar_prefetch = 0 : i64, scratch_operands = 0 : i64, tpu.core_type = #tpu.core_type<tc>} {
    %get3A = arith.constant 0 : index
    %get3A_0 = arith.constant 0 : index
    %get3A_1 = arith.constant 0 : index
    %get3A_2 = vector.load %arg0[%get3A, %get3A_0, %get3A_1] : memref<2x10000x16xf32, #tpu.memory_space<vmem>>, vector<1x10000x16xf32>
    %get3A_3 = vector.shape_cast %get3A_2 : vector<1x10000x16xf32> to vector<10000x16xf32>
    %get3A_4 = arith.constant 1 : index
    %get3A_5 = arith.constant 0 : index
    %get3A_6 = arith.constant 0 : index
    %get3A_7 = vector.load %arg0[%get3A_4, %get3A_5, %get3A_6] : memref<2x10000x16xf32, #tpu.memory_space<vmem>>, vector<1x10000x16xf32>
    %get3A_8 = vector.shape_cast %get3A_7 : vector<1x10000x16xf32> to vector<10000x16xf32>
    %add3A = arith.addf %get3A_3, %get3A_8 : vector<10000x16xf32>
    %max3A = arith.constant 0.000000e+00 : f32
    %max3A_9 = vector.broadcast %max3A : f32 to vector<10000x16xf32>
    %max3A_10 = arith.maximumf %add3A, %max3A_9 : vector<10000x16xf32>
    %swap3A = arith.constant 0 : index
    %swap3A_11 = arith.constant 0 : index
    %swap3A_12 = vector.load %arg1[%swap3A, %swap3A_11] : memref<10000x16xf32, #tpu.memory_space<vmem>>, vector<10000x16xf32>
    tpu.vector_store %arg1[%swap3A, %swap3A_11], %max3A_10 {strides = array<i32>} : memref<10000x16xf32, #tpu.memory_space<vmem>>, vector<10000x16xf32>,
    return
  }
}

</mosaic_0001>

<sc_bundles>
// kernel: kernel.6.cloned.1.call-start
scs
__scs_entry_jumppad:
0x0: {  	(pc) =	sbr.rel $0x88, $3  }
0x1: {  	(tag) =	ssettag $0x0;
	lr =	simm.s32 $0x1  }
0x2: {  	[smem:$0x3F9B] =	sst lr;
	_ =	strace $0xD0000000  }
0x3: {  	_ = 	snop  }
0x4: {  	_ = 	snop  }
0x5: {  	_ = 	snop  }
0x6: {  	_ = 	snop  }
0x7: {  	_ = 	snop  }
__scs_overlays_trampoline_lowered:
0x8: {  	[smem:$0x3FAA] =	sst s0  }
0x9: {  	[smem:$0x3FAB] =	sst s1  }
0xa: {  	[smem:$0x3FAC] =	sst s2  }
0xb: {  	[smem:$0x3FAD] =	sst s3  }
0xc: {  	[smem:$0x3FAE] =	sst s4  }
0xd: {  	[smem:$0x3FAF] =	sst s5  }
0xe: {  	[smem:$0x3FB0] =	sst s6  }
0xf: {  	[smem:$0x3FB1] =	sst s7  }
0x10: {  	[smem:$0x3FB2] =	sst s8  }
0x11: {  	[smem:$0x3FB3] =	sst s9;
	s0 =	simm.s32 @!p0 $0x0  }
0x12: {  	s1 =	sld [smem:$0x3F99];
	s0 =	simm.s32 @p0 $0x1  }
0x13: {  	[smem:$0x3FB4] =	sst s0;
	s0 =	simm.s32 @!p1 $0x0  }
0x14: {  	s2 =	sld [smem:$0x3F98];
	s0 =	simm.s32 @p1 $0x1  }
0x15: {  	[smem:$0x3FB5] =	sst s0;
	s0 =	simm.s32 @!p2 $0x0  }
0x16: {  	s3 =	sld [smem:$0x3FDB];
	s0 =	simm.s32 @p2 $0x1  }
0x17: {  	s4 =	simm.s32 $0x1BF5;
	[smem:$0x3FB7] =	sst s0  }
0x18: {  	s0 =	sld [smem:$0x3F9A];
	_ =	swait.ge [sflag:s4], $0x0  }
0x19: {  	s7 =	sld [smem:$0x3F9B]  }
0x1a: {  	s8 =	sadd.s32 $0xFFFFE003, lr  }
0x1b: {  	s9 =	sadd.s32 $0xFFFFFEF7, lr;
	s5 =	simm.s32 $0xFFFFFFFF;
	p2 =	slt.u32 s8, $0xFFFFF086  }
0x1c: {  	p1 =	slt.u32 s9, $0xF7A;
	s5 =	simm.s32 @!p2 $0x0  }
0x1d: {  	s5 =	simm.s32 @p1 $0x1;
	p0 =	seq.s32 s7, s2  }
0x1e: {  	s7 =	smul.u32 @!p0 $0xF7A, s2;
	p2 =	seq.s32 @!p0 s5, $0x0  }
0x1f: {  	s9 =	smul.u32 $0xF7A, s1;
	s8 =	simm.s32 @!p0 $0x1BF5;
	p2 =	por !p2, p0  }
0x20: {  	[sflag:s8] =	ssyncset.s32 @!p0 $0xFFFFF086;
	s6 =	sadd.s32 @!p0 s3, s7;
	s7 =	simm.s32 @!p0 $0x108  }
0x21: {  	s3 =	sadd.s32 s3, s9;
	s6 =	sadd.s32 @!p0 $0x88, s6;
	s7 =	simm.s32 @p2 $0x1082  }
0x22: {  	[simem:s7], [sflag:s8] =	dma.local @!p0 [hbm:s6], $0xF7A  }
0x23: {  	s9 =	sor.u32 $0xD0000000, s2;
	s6 =	simm.s32 $0x108;
	_ =	swait.ge @!p0 [sflag:s8], $0x0  }
0x24: {  	s3 =	sadd.s32 $0x88, s3;
	s6 =	simm.s32 @!p1 $0x1082;
	[sflag:s4] =	ssyncset.s32 $0xFFFFF086  }
0x25: {  	[simem:s6], [sflag:s4] =	dma.local [hbm:s3], $0xF7A  }
0x26: {  	[smem:$0x3F9B] =	sst s1;
	(tag) =	ssettag s2;
	_ =	strace s9  }
0x27: {  	s1 =	sld [smem:$0x3FAB]  }
0x28: {  	s2 =	sld [smem:$0x3FAC]  }
0x29: {  	s4 =	sld [smem:$0x3FAE]  }
0x2a: {  	p0 =	seq.s32 s5, $0x0;
	s5 =	sld [smem:$0x3FAF]  }
0x2b: {  	s6 =	sld [smem:$0x3FB0]  }
0x2c: {  	s7 =	sld [smem:$0x3FB1]  }
0x2d: {  	s3 =	simm.s32 $0x108;
	s8 =	sld [smem:$0x3FB2]  }
0x2e: {  	s3 =	simm.s32 @!p0 $0x1082;
	s9 =	sld [smem:$0x3FB3]  }
0x2f: {  	lr =	sadd.s32 s0, s3;
	s0 =	sld [smem:$0x3FAA]  }
0x30: {  	s3 =	sld [smem:$0x3FAD]  }
0x31: {  	[smem:$0x3FB6] =	sst s10  }
0x32: {  	s10 =	sld [smem:$0x3FB4];
	_ =	sdelay $0x3  }
0x33: {  	p0 =	seq.s32 s10, $0x1;
	s10 =	sld [smem:$0x3FB6];
	_ =	sdelay $0x3  }
0x34: {  	[smem:$0x3FB6] =	sst s10  }
0x35: {  	s10 =	sld [smem:$0x3FB5];
	_ =	sdelay $0x3  }
0x36: {  	p1 =	seq.s32 s10, $0x1;
	s10 =	sld [smem:$0x3FB6];
	_ =	sdelay $0x3  }
0x37: {  	[smem:$0x3FB6] =	sst s10  }
0x38: {  	s10 =	sld [smem:$0x3FB7]  }
0x39: {  	_ = 	snop;
	(pc) =	sbr.ind lr, $3  }
0x3a: {  	_ = 	snop  }
0x3b: {  	_ = 	snop  }
0x3c: {  	p2 =	seq.s32 s10, $0x1;
	s10 =	sld [smem:$0x3FB6]  }
0x3d: {  	_ =	shalt  }
0x3e: {  	_ =	shalt  }
0x3f: {  	_ =	shalt  }
0x40: {  	_ =	shalt  }
0x41: {  	_ =	shalt  }
0x42: {  	_ =	shalt  }
0x43: {  	_ =	shalt  }
0x44: {  	_ =	shalt  }
0x45: {  	_ =	shalt  }
0x46: {  	_ =	shalt  }
0x47: {  	_ =	shalt  }
0x48: {  	_ =	shalt  }
0x49: {  	_ =	shalt  }
0x4a: {  	_ =	shalt  }
0x4b: {  	_ =	shalt  }
0x4c: {  	_ =	shalt  }
0x4d: {  	_ =	shalt  }
0x4e: {  	_ =	shalt  }
0x4f: {  	_ =	shalt  }
0x50: {  	_ =	shalt  }
0x51: {  	_ =	shalt  }
0x52: {  	_ =	shalt  }
0x53: {  	_ =	shalt  }
0x54: {  	_ =	shalt  }
0x55: {  	_ =	shalt  }
0x56: {  	_ =	shalt  }
0x57: {  	_ =	shalt  }
0x58: {  	_ =	shalt  }
0x59: {  	_ =	shalt  }
0x5a: {  	_ =	shalt  }
0x5b: {  	_ =	shalt  }
0x5c: {  	_ =	shalt  }
0x5d: {  	_ =	shalt  }
0x5e: {  	_ =	shalt  }
0x5f: {  	_ =	shalt  }
0x60: {  	_ =	shalt  }
0x61: {  	_ =	shalt  }
0x62: {  	_ =	shalt  }
0x63: {  	_ =	shalt  }
0x64: {  	_ =	shalt  }
0x65: {  	_ =	shalt  }
0x66: {  	_ =	shalt  }
0x67: {  	_ =	shalt  }
0x68: {  	_ =	shalt  }
0x69: {  	_ =	shalt  }
0x6a: {  	_ =	shalt  }
0x6b: {  	_ =	shalt  }
0x6c: {  	_ =	shalt  }
0x6d: {  	_ =	shalt  }
0x6e: {  	_ =	shalt  }
0x6f: {  	_ =	shalt  }
0x70: {  	_ =	shalt  }
0x71: {  	_ =	shalt  }
0x72: {  	_ =	shalt  }
0x73: {  	_ =	shalt  }
0x74: {  	_ =	shalt  }
0x75: {  	_ =	shalt  }
0x76: {  	_ =	shalt  }
0x77: {  	_ =	shalt  }
0x78: {  	_ =	shalt  }
0x79: {  	_ =	shalt  }
0x7a: {  	_ =	shalt  }
0x7b: {  	_ =	shalt  }
0x7c: {  	_ =	shalt  }
0x7d: {  	_ =	shalt  }
0x7e: {  	_ =	shalt  }
0x7f: {  	_ =	shalt  }
0x80: {  	_ =	shalt  }
0x81: {  	_ =	shalt  }
0x82: {  	_ =	shalt  }
0x83: {  	_ =	shalt  }
0x84: {  	_ =	shalt  }
0x85: {  	_ =	shalt  }
0x86: {  	_ =	shalt  }
0x87: {  	_ =	shalt  }
.Lfunc_end0:
.L_simem_size_0:
called_computation_lowered:
.L_overlay_start_0:
0x88: {  	s2 =	sld [smem:$0x3FD9]  }
0x89: {  	s3 =	sld [smem:$0x3FFE];
	_ =	sdelay $0x1  }
0x8a: {  	s1 =	srdreg.scid  }
0x8b: {  	s0 =	sand.u32 $0x1, s1  }
0x8c: {  	s17 =	sshll.u32 s0, $0xA;
	s2 =	sadd.s32 s3, s2  }
0x8d: {  	s2 =	sadd.s32 s2, s17  }
0x8e: {  	[smem:$0x3FC2] =	sst s2  }
0x8f: {  	_ = 	snop  }
0x90: {  	s2 =	sld [smem:$0x3FD0];
	(tm) =	ssettm $0x1  }
0x91: {  	s18 =	sld [smem:$0x3FFB];
	_ =	sdelay $0x3  }
0x92: {  	_ =	strace s18  }
0x93: {  	s3 =	sld [smem:$0x3FFC];
	_ =	sdelay $0x3  }
0x94: {  	_ =	strace s3  }
0x95: {  	s3 =	sld [smem:$0x3FFD];
	_ =	sdelay $0x3  }
0x96: {  	_ =	strace s3  }
0x97: {  	_ =	strace $0x8FFFFFFF  }
0x98: {  	s19 =	sld [smem:$0x3FDB];
	_ =	sdelay $0x1  }
0x99: {  	s4 =	simm.s32 $_scs_section_size  }
0x9a: {  	s5 =	simm.s32 $_size__tile_overlayer_lowered;
	s6 =	simm.s32 $_tile_overlayer_lowered  }
0x9b: {  	s22 =	simm.s32 $0x1BFF;
	s21 =	sshll.u32 s6, $0x1;
	s3 =	sadd.s32 s4, s19  }
0x9c: {  	s7 =	simm.s32 $0x0;
	s20 =	sshll.u32 s5, $0x1;
	s5 =	sadd.s32 s21, s3  }
0x9d: {  	[timem:s7], [sflag:s22] =	dma.local [hbm:s5], s20  }
0x9e: {  	_ =	swait.ge [sflag:s22], s20  }
0x9f: {  	s4 =	ssub.s32 $0x0, s20;
	[sflag:s22] =	ssyncset.done $0x0  }
0xa0: {  	[sflag:s22] =	ssyncadd.s32 s4;
	_ =	sdelay $0x1  }
0xa1: {  	s23 =	simm.s32 $0x1B8B  }
0xa2: {  	_ =	swait.ge [sflag:s23], $0x1  }
0xa3: {  	[sflag:s23] =	ssyncset.done $0x0  }
0xa4: {  	s25 =	simm.s32 $0x1B8E;
	s24 =	sld [smem:$0x3FFE];
	[sflag:s23] =	ssyncadd.s32 $0xFFFFFFFF  }
0xa5: {  	s26 =	simm.s32 $execute0_lowered;
	[smem:$0x3FD2] =	sst s25  }
0xa6: {  	s5 =	sshll.u32 s26, $0x1;
	_ =	strace $0x80000046;
	[dreg:$0x1] =	wrdreg $0xFFFFFFFF  }
0xa7: {  	s28 =	simm.s32 $_size_execute0_lowered;
	s3 =	sadd.s32 s3, s5;
	[dreg:$0x0] =	wrdreg $0x0  }
0xa8: {  	s5 =	sshll.u32 s28, $0x1;
	[dreg:$0x2] =	wrdreg s3  }
0xa9: {  	[dreg:$0x3] =	wrdreg s5  }
0xaa: {  	[dreg:$0x4] =	wrdreg $0xC0  }
0xab: {  	_ =	task [dreg:s7], $0x5FFFF  }
0xac: {  	[dreg:$0x1] =	wrdreg $0xFFFFFFFF  }
0xad: {  	[dreg:$0x0] =	wrdreg $0x60  }
0xae: {  	[dreg:$0x2] =	wrdreg s2  }
0xaf: {  	[dreg:$0x3] =	wrdreg s24  }
0xb0: {  	[dreg:$0x4] =	wrdreg $0x9  }
0xb1: {  	_ =	task.clear_ibuf [dreg:s7], $0x5FFFF;
	_ =	strace $0x90000046  }
0xb2: {  	s29 =	simm.s32 $0x9;
	_ =	strace $0x8000004F  }
0xb3: {  	_ =	swait.ge [sflag:s29], $0x1  }
0xb4: {  	[sflag:s29] =	ssyncadd.s32 $0xFFFFFFFF  }
0xb5: {  	_ =	strace $0x9000004F  }
0xb6: {  	_ =	sfence  }
0xb7: {  	s30 =	sld [smem:$0x0];
	_ =	sdelay $0x2  }
0xb8: {  	s31 =	sshll.u32 s1, $0xD;
	s1 =	sshrl.u32 s1, $0x2  }
0xb9: {  	s3 =	sand.u32 $0x4000, s31;
	s1 =	sadd.s32 s1, s30  }
0xba: {  	s0 =	sor.u32 s3, s0;
	s1 =	sshll.u32 s1, $0x11  }
0xbb: {  	s0 =	sor.u32 s1, s0  }
0xbc: {  	s0 =	sadd.s32 $0x8F2B, s0  }
0xbd: {  	[sflag:s0] =	ssyncadd.remote.s32 $0x1  }
0xbe: {  	_ =	sfence.sel $0xFFFF  }
0xbf: {  	[dreg:$0x0] =	wrdreg $0xFFFFFFFF;
	(pc) =	sbr.abs _section_cstart, $3  }
0xc0: {  	[dreg:$0x1] =	wrdreg $0xFFFFFFFF  }
0xc1: {  	_ =	task.clear_ibuf [dreg:s7], $0x2FFFF;
	_ =	strace $0x9FFFFFFF  }
0xc2: {  	(tm) =	ssettm $0x7FFFFFFF  }
0xc3: {  	_ =	shalt  }
tec
execute0_lowered:
.L_overlay_start_1:
0x0: {  	(tag) =	ssettag $0x1  }
0x1: {  	s0 =	rddreg [dreg:$0x0]  }
0x2: {  	s3 =	rddreg [dreg:$0x1];
	s1 =	srdreg.scid;
	s2 =	simm.s32 $0x0  }
0x3: {  	s31 =	simm.s32 $0x80;
	s9 =	simm.s32 $0x3;
	[dreg:$0x3] =	wrdreg s0  }
0x4: {  	s10 =	simm.s32 $0x0;
	s0 =	rddreg [dreg:$0x2];
	s4 =	sand.u32 $0x1, s1  }
0x5: {  	[smem:$0x7FF] =	sst s2;
	s1 =	stileid.u32;
	s6 =	sadd.s32 $0x16000, s3  }
0x6: {  	s3 =	sadd.s32 $0xC200, s3;
	s5 =	sshll.u32 s4, $0x4;
	_ =	strace $0x80000047  }
0x7: {  	s4 =	ssub.s32 $0x2, s4;
	[dreg:$0x5] =	wrdreg s6;
	s5 =	sor.u32 s1, s5  }
0x8: {  	[dreg:$0x4] =	wrdreg s31;
	s7 =	sshrl.u32 s4, $0x1;
	s8 =	smul.u32 $0x4F0, s5  }
0x9: {  	s30 =	ssub.s32 s4, s7;
	s4 =	smul.u32 $0x4F, s5;
	s7 =	simm.s32 $0x1  }
0xa: {  	s6 =	smax.u32 s30, $0x1;
	s5 =	sadd.s32 s3, s8;
	s8 =	simm.s32 $0x5  }
.LBB2_1:
0xb: {  	_ =	strace $0x80000048;
	s11 =	simm.s32 $0x1;
	p0 =	por $0x0, $0x0  }
0xc: {  	[tilespmem:s2], [sflag:$0x1] =	stream.linear.gather [hbm4b:s5+s2], $0x80, $0x200038;
	[tilespmem:$0x1100] =	vst v63  }
0xd: {  	s11 =	simm.s32 @p0 $0x0  }
0xe: {  	p4 =	por $0x1, $0x1;
	s20 =	sand.u32 $0x1, s2;
	p1 =	sne.s32 s11, $0x0  }
0xf: {  	p2 =	por $0x1, $0x1;
	s18 =	simm.s32 $0x4D;
	p0 =	por !p4, !p1  }
0x10: {  	s16 =	simm.s32 $0x0;
	p5 =	por $0x0, $0x0;
	p0 =	por !p0, !p0  }
0x11: {  	s23 =	sadd.s32 $0x0, s4;
	s30 =	sadd.s32 $0x1, s20;
	s12 =	sadd.s32 @p0 s4, s11  }
0x12: {  	_ =	strace $0x90000048;
	s13 =	sand.u32 @p0 $0x1, s7;
	s12 =	sshll.u32 @p0 s12, $0x4  }
0x13: {  	_ =	strace @p0 $0x80000049;
	s15 =	simm.s32 @p0 $0x0;
	s12 =	sand.u32 @p0 $0x1FFFFFF0, s12  }
0x14: {  	s14 =	sshll.u32 @p0 s13, $0x7;
	s13 =	sadd.s32 @p0 $0x1, s13;
	s12 =	sadd.s32 @p0 s3, s12  }
0x15: {  	[tilespmem:s14], [sflag:s13] =	stream.linear.gather @p0 [hbm4b:s12+s15], $0x80, $0x200038;
	[tilespmem:$0x1100] =	vst v63  }
0x16: {  	p3 =	por p2, p2;
	s21 =	sshll.u32 s20, $0xB;
	_ =	strace @p0 $0x90000049  }
0x17: {  	s16 =	sand.u32 $0x80, s16;
	p2 =	por p5, p5;
	_ =	strace $0x8000004A  }
0x18: {  	s17 =	sadd.s32 $0x1, s11;
	s22 =	sor.u32 $0x100, s21;
	_ =	swait.ge [sflag:s30], $0x80  }
0x19: {  	s21 =	simm.s32 $0x1;
	p6 =	por p1, p1;
	[sflag:s30] =	ssyncset.done $0x0  }
0x1a: {  	p1 =	por p3, p3;
	p4 =	por $0x1, $0x1;
	[sflag:s30] =	ssyncadd.s32 $0xFFFFFF80  }
0x1b: {  	s12 =	simm.s32 $0x4E;
	s15 =	sand.u32 @!p3 $0x1, s2;
	_ =	strace $0x9000004A  }
0x1c: {  	s13 =	simm.s32 $0x1;
	p3 =	seq.s32 s17, $0x4F;
	_ =	strace $0x8000004B  }
0x1d: {  	s13 =	simm.s32 @!p0 $0x0;
	s17 =	simm.s32 @p3 $0x0;
	s19 =	rddreg [dreg:$0x4]  }
0x1e: {  	p0 =	por $0x0, $0x0;
	s14 =	sadd.s32 $0x1, s13;
	s31 =	rddreg [dreg:$0x3]  }
0x1f: {  	[tilespmem:s22], [sflag:$0x5] =	stream.indirect.gather [hbm4b:s31+s19], $0x10, s16, s19, $0x2000b8;
	[tilespmem:$0x1100] =	vst v63  }
0x20: {  	p3 =	sne.s32 s11, s17;
	s21 =	simm.s32 @!p0 $0x0;
	_ =	swait.ge [sflag:s8], $0x800  }
0x21: {  	p5 =	por !p4, !p3;
	p4 =	por $0x0, $0x0;
	[sflag:s8] =	ssyncset.done $0x0  }
0x22: {  	s13 =	simm.s32 $0x0;
	p6 =	por p4, p6;
	[sflag:s8] =	ssyncadd.s32 $0xFFFFF800  }
0x23: {  	s16 =	simm.s32 $0x0;
	s19 =	simm.s32 $0x0;
	_ =	strace $0x9000004B  }
.LBB2_2:
0x24: {  	_ =	strace @p6 $0x8000004C;
	s13 =	sadd.s32 s21, s13;
	s21 =	smov.u32 s12  }
0x25: {  	s12 =	smov.u32 s18;
	s18 =	sadd.s32 $0xFFFFFFFF, s18;
	p0 =	por p3, p3  }
0x26: {  	s28 =	sshll.u32 @p6 s23, $0x8;
	s20 =	sadd.s32 @p6 $0x3, s20;
	s24 =	simm.s32 @!p0 $0x0  }
0x27: {  	s25 =	rddreg [dreg:$0x5];
	s28 =	sand.u32 @p6 $0x1FFFFF00, s28;
	s24 =	simm.s32 @p0 $0x1  }
0x28: {  	s25 =	sadd.s32 @p6 s25, s28;
	s28 =	simm.s32 @p6 $0x0;
	p0 =	sne.s32 s18, $0x0  }
0x29: {  	[hbm4b:s25+s28] =	stream.linear.scatter @p6 [tilespmem:s22], [sflag:s20], $0x800, $0x200038;
	[tilespmem:$0x1100] =	vst v63  }
0x2a: {  	s20 =	sadd.s32 @!p1 $0x3, s15;
	s15 =	simm.s32 @!p0 $0x0  }
0x2b: {  	s26 =	simm.s32 $0x1;
	[smem:$0x7FC] =	sst s24;
	s15 =	simm.s32 @p0 $0x1  }
0x2c: {  	s26 =	simm.s32 @!p6 $0x0;
	_ =	strace @p6 $0x9000004C;
	[smem:$0x7FD] =	sst s15  }
0x2d: {  	p5 =	por !p5, !p5;
	s19 =	sadd.s32 s26, s19;
	_ =	strace @!p1 $0x8000004D  }
0x2e: {  	s24 =	sand.u32 @!p2 $0x1, s13;
	s22 =	sand.u32 @p5 $0x1, s14;
	_ =	swait.ge @!p1 [sflag:s20], $0x800  }
0x2f: {  	s15 =	smov.u32 s24;
	s24 =	sadd.s32 @p5 s4, s17;
	[sflag:s20] =	ssyncset.done @!p1 $0x0  }
0x30: {  	s25 =	sshll.u32 @p5 s22, $0x7;
	s24 =	sshll.u32 @p5 s24, $0x4;
	[sflag:s20] =	ssyncadd.s32 @!p1 $0xFFFFF800  }
0x31: {  	s20 =	sadd.s32 @p5 $0x1, s22;
	s22 =	sand.u32 @p5 $0x1FFFFFF0, s24;
	_ =	strace @!p1 $0x9000004D  }
0x32: {  	s24 =	simm.s32 @p5 $0x0;
	s22 =	sadd.s32 @p5 s3, s22;
	_ =	strace @p5 $0x80000049  }
0x33: {  	[tilespmem:s25], [sflag:s20] =	stream.linear.gather @p5 [hbm4b:s22+s24], $0x80, $0x200038;
	[tilespmem:$0x1100] =	vst v63  }
0x34: {  	s16 =	sadd.s32 s26, s16;
	s26 =	sand.u32 $0x1, s19;
	_ =	strace @p5 $0x90000049  }
0x35: {  	s24 =	sadd.s32 $0x1, s26;
	_ =	strace $0x8000004A  }
0x36: {  	_ =	swait.ge [sflag:s24], $0x80  }
0x37: {  	[sflag:s24] =	ssyncset.done $0x0  }
0x38: {  	s20 =	simm.s32 $0x1;
	[sflag:s24] =	ssyncadd.s32 $0xFFFFFF80  }
0x39: {  	s20 =	simm.s32 @!p5 $0x0;
	_ =	strace $0x9000004A  }
0x3a: {  	s14 =	sadd.s32 s20, s14;
	s20 =	sand.u32 $0x1, s16;
	_ =	strace $0x8000004B  }
0x3b: {  	s29 =	sshll.u32 s19, $0x7;
	s25 =	sshll.u32 s20, $0xB;
	s26 =	rddreg [dreg:$0x4]  }
0x3c: {  	s29 =	sand.u32 $0x80, s29;
	s22 =	sor.u32 $0x100, s25;
	s30 =	rddreg [dreg:$0x3]  }
0x3d: {  	[tilespmem:s22], [sflag:$0x5] =	stream.indirect.gather [hbm4b:s30+s26], $0x10, s29, s26, $0x2000b8;
	[tilespmem:$0x1100] =	vst v63  }
0x3e: {  	_ =	swait.ge [sflag:s8], $0x800  }
0x3f: {  	s31 =	sadd.s32 $0x1, s17;
	[sflag:s8] =	ssyncset.done $0x0  }
0x40: {  	s23 =	sadd.s32 s4, s11;
	s11 =	smov.u32 s17;
	[sflag:s8] =	ssyncadd.s32 $0xFFFFF800  }
0x41: {  	p3 =	seq.s32 s31, $0x4F;
	s17 =	smov.u32 s31;
	_ =	strace $0x9000004B  }
0x42: {  	s17 =	simm.s32 @p3 $0x0;
	s31 =	sld [smem:$0x7FD]  }
0x43: {  	p6 =	sne.s32 s12, $0x1;
	p0 =	sne.s32 s21, $0x4F;
	p3 =	sne.s32 s11, s17  }
0x44: {  	p5 =	por !p6, !p3;
	p6 =	seq.s32 s21, $0x1;
	s21 =	simm.s32 $0x1  }
0x45: {  	s21 =	simm.s32 @!p0 $0x0;
	p0 =	seq.s32 s31, $0x1  }
.Ltmp0:
0x46: {  	s30 =	sld [smem:$0x7FC];
	(pc) =	sbr.rel @p0 .LBB2_2-.Ltmp0, $4  }
0x47: {  	_ = 	snop  }
0x48: {  	p4 =	seq.s32 s12, $0x4F  }
0x49: {  	p1 =	por p2, p2;
	p2 =	por p4, p4;
	p4 =	seq.s32 s30, $0x1  }
0x4a: {  	p6 =	por p6, p4  }
0x4b: {  	_ =	strace @p6 $0x8000004C;
	s23 =	sshll.u32 @p6 s23, $0x8  }
0x4c: {  	s18 =	rddreg [dreg:$0x5];
	s23 =	sand.u32 @p6 $0x1FFFFF00, s23  }
0x4d: {  	s20 =	sadd.s32 @p6 $0x3, s20;
	s18 =	sadd.s32 @p6 s18, s23;
	s23 =	simm.s32 @p6 $0x0  }
0x4e: {  	[hbm4b:s18+s23] =	stream.linear.scatter @p6 [tilespmem:s22], [sflag:s20], $0x800, $0x200038;
	[tilespmem:$0x1100] =	vst v63  }
0x4f: {  	p0 =	por !p5, !p5;
	_ =	strace @p6 $0x9000004C  }
0x50: {  	s15 =	sadd.s32 @!p1 $0x3, s15;
	s17 =	sadd.s32 @p0 s4, s17;
	_ =	strace @!p1 $0x8000004D  }
0x51: {  	s14 =	sand.u32 @p0 $0x1, s14;
	s17 =	sshll.u32 @p0 s17, $0x4;
	_ =	swait.ge @!p1 [sflag:s15], $0x800  }
0x52: {  	s18 =	simm.s32 $0x1;
	s20 =	sshll.u32 @p0 s14, $0x7;
	[sflag:s15] =	ssyncset.done @!p1 $0x0  }
0x53: {  	s14 =	sadd.s32 @p0 $0x1, s14;
	s18 =	simm.s32 @!p6 $0x0;
	[sflag:s15] =	ssyncadd.s32 @!p1 $0xFFFFF800  }
0x54: {  	s19 =	sadd.s32 s18, s19;
	s15 =	sand.u32 @p0 $0x1FFFFFF0, s17;
	_ =	strace @!p1 $0x9000004D  }
0x55: {  	s17 =	simm.s32 @p0 $0x0;
	s15 =	sadd.s32 @p0 s3, s15;
	_ =	strace @p0 $0x80000049  }
0x56: {  	[tilespmem:s20], [sflag:s14] =	stream.linear.gather @p0 [hbm4b:s15+s17], $0x80, $0x200038;
	[tilespmem:$0x1100] =	vst v63  }
0x57: {  	s25 =	sand.u32 $0x1, s19;
	_ =	strace @p0 $0x90000049  }
0x58: {  	s14 =	sadd.s32 $0x1, s25;
	_ =	strace $0x8000004A  }
0x59: {  	_ =	swait.ge [sflag:s14], $0x80  }
0x5a: {  	[sflag:s14] =	ssyncset.done $0x0  }
0x5b: {  	[sflag:s14] =	ssyncadd.s32 $0xFFFFFF80  }
0x5c: {  	s26 =	sadd.s32 s18, s16;
	_ =	strace $0x9000004A  }
0x5d: {  	s14 =	sand.u32 $0x1, s26;
	_ =	strace $0x8000004B  }
0x5e: {  	s30 =	sshll.u32 s19, $0x7;
	s31 =	sshll.u32 s14, $0xB;
	s28 =	rddreg [dreg:$0x4]  }
0x5f: {  	s17 =	sand.u32 $0x80, s30;
	s18 =	sor.u32 $0x100, s31;
	s29 =	rddreg [dreg:$0x3]  }
0x60: {  	[tilespmem:s18], [sflag:$0x5] =	stream.indirect.gather [hbm4b:s29+s28], $0x10, s17, s28, $0x2000b8;
	[tilespmem:$0x1100] =	vst v63  }
0x61: {  	_ =	swait.ge [sflag:s8], $0x800  }
0x62: {  	[sflag:s8] =	ssyncset.done $0x0  }
0x63: {  	p5 =	por p3, p3;
	p6 =	seq.s32 s12, $0x1;
	[sflag:s8] =	ssyncadd.s32 $0xFFFFF800  }
0x64: {  	s11 =	sadd.s32 s4, s11;
	p0 =	por p6, p5;
	_ =	strace $0x9000004B  }
0x65: {  	s11 =	sshll.u32 @p0 s11, $0x8;
	_ =	strace @p0 $0x8000004C  }
0x66: {  	s13 =	sadd.s32 s21, s13;
	s11 =	sand.u32 @p0 $0x1FFFFF00, s11;
	s12 =	rddreg [dreg:$0x5]  }
0x67: {  	s14 =	sadd.s32 @p0 $0x3, s14;
	s11 =	sadd.s32 @p0 s12, s11;
	s12 =	simm.s32 @p0 $0x0  }
0x68: {  	[hbm4b:s11+s12] =	stream.linear.scatter @p0 [tilespmem:s18], [sflag:s14], $0x800, $0x200038;
	[tilespmem:$0x1100] =	vst v63  }
0x69: {  	p1 =	por p2, p2;
	s11 =	sand.u32 @!p2 $0x1, s13;
	_ =	strace @p0 $0x9000004C  }
0x6a: {  	s11 =	sadd.s32 @!p1 $0x3, s11;
	_ =	strace @!p1 $0x8000004D  }
0x6b: {  	_ =	swait.ge @!p1 [sflag:s11], $0x800  }
0x6c: {  	[sflag:s11] =	ssyncset.done @!p1 $0x0  }
0x6d: {  	s10 =	sadd.s32 $0x1, s10;
	[sflag:s11] =	ssyncadd.s32 @!p1 $0xFFFFF800  }
0x6e: {  	p0 =	sne.s32 s10, s6;
	_ =	strace @!p1 $0x9000004D  }
.Ltmp1:
0x6f: {  	_ =	strace $0x8000004E;
	(pc) =	sbr.rel @p0 .LBB2_1-.Ltmp1, $4  }
0x70: {  	_ =	swait.ge [sflag:s9], $0x800  }
0x71: {  	[sflag:s9] =	ssyncset.done $0x0  }
0x72: {  	[sflag:s9] =	ssyncadd.s32 $0xFFFFF800  }
0x73: {  	_ =	strace $0x9000004E  }
0x74: {  	_ =	sfence.sel $0x180000  }
0x75: {  	[bflag:$0x0] =	sbarrier.arrive $0xFFFF  }
0x76: {  	p0 =	sne.s32 s1, $0x0;
	_ =	strace $0x90000047  }
0x77: {  	s0 =	sadd.s32 @!p0 $0x100000, s0;
	[bflag:$0x2] =	sbarrier.arrive $0xFFFF  }
0x78: {  	[sflag:s0] =	ssyncadd.tile.s32 @!p0 $0x1;
	_ =	shalt  }
.Lfunc_end2:
_tile_overlayer_lowered:
.L_overlay_start_2:
0x79: {  	(tag) =	ssettag $0x2  }
0x7a: {  	s0 =	rddreg [dreg:$0x0];
	s2 =	stileid.u32  }
0x7b: {  	s1 =	rddreg [dreg:$0x1];
	p0 =	sne.s32 s2, $0x0  }
0x7c: {  	s3 =	rddreg [dreg:$0x2];
	[bflag:$0x3] =	sbarrier.arrive $0xFFFF;
	s2 =	simm.s32 @!p0 $0x1C01  }
0x7d: {  	[timem:s3], [sflag:s2] =	dma.local @!p0 [hbm:s0], s1  }
0x7e: {  	s0 =	simm.s32 @!p0 $0x1  }
0x7f: {  	_ =	swait.ge @!p0 [sflag:s0], s1  }
0x80: {  	s1 =	ssub.s32 @!p0 $0x0, s1;
	[sflag:s0] =	ssyncset.done @!p0 $0x0  }
0x81: {  	[sflag:s0] =	ssyncadd.s32 @!p0 s1  }
0x82: {  	[bflag:$0x3] =	sbarrier.arrive $0xFFFF  }
0x83: {  	_ =	shalt  }

// kernel: kernel.9.cloned.1.call-start
scs
__scs_entry_jumppad:
0x0: {  	(pc) =	sbr.rel $0x88, $3  }
0x1: {  	(tag) =	ssettag $0x0;
	lr =	simm.s32 $0x1  }
0x2: {  	[smem:$0x3F9B] =	sst lr;
	_ =	strace $0xD0000000  }
0x3: {  	_ = 	snop  }
0x4: {  	_ = 	snop  }
0x5: {  	_ = 	snop  }
0x6: {  	_ = 	snop  }
0x7: {  	_ = 	snop  }
__scs_overlays_trampoline_lowered:
0x8: {  	[smem:$0x3FAA] =	sst s0  }
0x9: {  	[smem:$0x3FAB] =	sst s1  }
0xa: {  	[smem:$0x3FAC] =	sst s2  }
0xb: {  	[smem:$0x3FAD] =	sst s3  }
0xc: {  	[smem:$0x3FAE] =	sst s4  }
0xd: {  	[smem:$0x3FAF] =	sst s5  }
0xe: {  	[smem:$0x3FB0] =	sst s6  }
0xf: {  	[smem:$0x3FB1] =	sst s7  }
0x10: {  	[smem:$0x3FB2] =	sst s8  }
0x11: {  	[smem:$0x3FB3] =	sst s9;
	s0 =	simm.s32 @!p0 $0x0  }
0x12: {  	s1 =	sld [smem:$0x3F99];
	s0 =	simm.s32 @p0 $0x1  }
0x13: {  	[smem:$0x3FB4] =	sst s0;
	s0 =	simm.s32 @!p1 $0x0  }
0x14: {  	s2 =	sld [smem:$0x3F98];
	s0 =	simm.s32 @p1 $0x1  }
0x15: {  	[smem:$0x3FB5] =	sst s0;
	s0 =	simm.s32 @!p2 $0x0  }
0x16: {  	s3 =	sld [smem:$0x3FDB];
	s0 =	simm.s32 @p2 $0x1  }
0x17: {  	s4 =	simm.s32 $0x1BF5;
	[smem:$0x3FB7] =	sst s0  }
0x18: {  	s0 =	sld [smem:$0x3F9A];
	_ =	swait.ge [sflag:s4], $0x0  }
0x19: {  	s7 =	sld [smem:$0x3F9B]  }
0x1a: {  	s8 =	sadd.s32 $0xFFFFE003, lr  }
0x1b: {  	s9 =	sadd.s32 $0xFFFFFEF7, lr;
	s5 =	simm.s32 $0xFFFFFFFF;
	p2 =	slt.u32 s8, $0xFFFFF086  }
0x1c: {  	p1 =	slt.u32 s9, $0xF7A;
	s5 =	simm.s32 @!p2 $0x0  }
0x1d: {  	s5 =	simm.s32 @p1 $0x1;
	p0 =	seq.s32 s7, s2  }
0x1e: {  	s7 =	smul.u32 @!p0 $0xF7A, s2;
	p2 =	seq.s32 @!p0 s5, $0x0  }
0x1f: {  	s9 =	smul.u32 $0xF7A, s1;
	s8 =	simm.s32 @!p0 $0x1BF5;
	p2 =	por !p2, p0  }
0x20: {  	[sflag:s8] =	ssyncset.s32 @!p0 $0xFFFFF086;
	s6 =	sadd.s32 @!p0 s3, s7;
	s7 =	simm.s32 @!p0 $0x108  }
0x21: {  	s3 =	sadd.s32 s3, s9;
	s6 =	sadd.s32 @!p0 $0x88, s6;
	s7 =	simm.s32 @p2 $0x1082  }
0x22: {  	[simem:s7], [sflag:s8] =	dma.local @!p0 [hbm:s6], $0xF7A  }
0x23: {  	s9 =	sor.u32 $0xD0000000, s2;
	s6 =	simm.s32 $0x108;
	_ =	swait.ge @!p0 [sflag:s8], $0x0  }
0x24: {  	s3 =	sadd.s32 $0x88, s3;
	s6 =	simm.s32 @!p1 $0x1082;
	[sflag:s4] =	ssyncset.s32 $0xFFFFF086  }
0x25: {  	[simem:s6], [sflag:s4] =	dma.local [hbm:s3], $0xF7A  }
0x26: {  	[smem:$0x3F9B] =	sst s1;
	(tag) =	ssettag s2;
	_ =	strace s9  }
0x27: {  	s1 =	sld [smem:$0x3FAB]  }
0x28: {  	s2 =	sld [smem:$0x3FAC]  }
0x29: {  	s4 =	sld [smem:$0x3FAE]  }
0x2a: {  	p0 =	seq.s32 s5, $0x0;
	s5 =	sld [smem:$0x3FAF]  }
0x2b: {  	s6 =	sld [smem:$0x3FB0]  }
0x2c: {  	s7 =	sld [smem:$0x3FB1]  }
0x2d: {  	s3 =	simm.s32 $0x108;
	s8 =	sld [smem:$0x3FB2]  }
0x2e: {  	s3 =	simm.s32 @!p0 $0x1082;
	s9 =	sld [smem:$0x3FB3]  }
0x2f: {  	lr =	sadd.s32 s0, s3;
	s0 =	sld [smem:$0x3FAA]  }
0x30: {  	s3 =	sld [smem:$0x3FAD]  }
0x31: {  	[smem:$0x3FB6] =	sst s10  }
0x32: {  	s10 =	sld [smem:$0x3FB4];
	_ =	sdelay $0x3  }
0x33: {  	p0 =	seq.s32 s10, $0x1;
	s10 =	sld [smem:$0x3FB6];
	_ =	sdelay $0x3  }
0x34: {  	[smem:$0x3FB6] =	sst s10  }
0x35: {  	s10 =	sld [smem:$0x3FB5];
	_ =	sdelay $0x3  }
0x36: {  	p1 =	seq.s32 s10, $0x1;
	s10 =	sld [smem:$0x3FB6];
	_ =	sdelay $0x3  }
0x37: {  	[smem:$0x3FB6] =	sst s10  }
0x38: {  	s10 =	sld [smem:$0x3FB7]  }
0x39: {  	_ = 	snop;
	(pc) =	sbr.ind lr, $3  }
0x3a: {  	_ = 	snop  }
0x3b: {  	_ = 	snop  }
0x3c: {  	p2 =	seq.s32 s10, $0x1;
	s10 =	sld [smem:$0x3FB6]  }
0x3d: {  	_ =	shalt  }
0x3e: {  	_ =	shalt  }
0x3f: {  	_ =	shalt  }
0x40: {  	_ =	shalt  }
0x41: {  	_ =	shalt  }
0x42: {  	_ =	shalt  }
0x43: {  	_ =	shalt  }
0x44: {  	_ =	shalt  }
0x45: {  	_ =	shalt  }
0x46: {  	_ =	shalt  }
0x47: {  	_ =	shalt  }
0x48: {  	_ =	shalt  }
0x49: {  	_ =	shalt  }
0x4a: {  	_ =	shalt  }
0x4b: {  	_ =	shalt  }
0x4c: {  	_ =	shalt  }
0x4d: {  	_ =	shalt  }
0x4e: {  	_ =	shalt  }
0x4f: {  	_ =	shalt  }
0x50: {  	_ =	shalt  }
0x51: {  	_ =	shalt  }
0x52: {  	_ =	shalt  }
0x53: {  	_ =	shalt  }
0x54: {  	_ =	shalt  }
0x55: {  	_ =	shalt  }
0x56: {  	_ =	shalt  }
0x57: {  	_ =	shalt  }
0x58: {  	_ =	shalt  }
0x59: {  	_ =	shalt  }
0x5a: {  	_ =	shalt  }
0x5b: {  	_ =	shalt  }
0x5c: {  	_ =	shalt  }
0x5d: {  	_ =	shalt  }
0x5e: {  	_ =	shalt  }
0x5f: {  	_ =	shalt  }
0x60: {  	_ =	shalt  }
0x61: {  	_ =	shalt  }
0x62: {  	_ =	shalt  }
0x63: {  	_ =	shalt  }
0x64: {  	_ =	shalt  }
0x65: {  	_ =	shalt  }
0x66: {  	_ =	shalt  }
0x67: {  	_ =	shalt  }
0x68: {  	_ =	shalt  }
0x69: {  	_ =	shalt  }
0x6a: {  	_ =	shalt  }
0x6b: {  	_ =	shalt  }
0x6c: {  	_ =	shalt  }
0x6d: {  	_ =	shalt  }
0x6e: {  	_ =	shalt  }
0x6f: {  	_ =	shalt  }
0x70: {  	_ =	shalt  }
0x71: {  	_ =	shalt  }
0x72: {  	_ =	shalt  }
0x73: {  	_ =	shalt  }
0x74: {  	_ =	shalt  }
0x75: {  	_ =	shalt  }
0x76: {  	_ =	shalt  }
0x77: {  	_ =	shalt  }
0x78: {  	_ =	shalt  }
0x79: {  	_ =	shalt  }
0x7a: {  	_ =	shalt  }
0x7b: {  	_ =	shalt  }
0x7c: {  	_ =	shalt  }
0x7d: {  	_ =	shalt  }
0x7e: {  	_ =	shalt  }
0x7f: {  	_ =	shalt  }
0x80: {  	_ =	shalt  }
0x81: {  	_ =	shalt  }
0x82: {  	_ =	shalt  }
0x83: {  	_ =	shalt  }
0x84: {  	_ =	shalt  }
0x85: {  	_ =	shalt  }
0x86: {  	_ =	shalt  }
0x87: {  	_ =	shalt  }
.Lfunc_end0:
.L_simem_size_0:
called_computation.1_lowered:
.L_overlay_start_0:
0x88: {  	s2 =	sld [smem:$0x3FD9]  }
0x89: {  	s3 =	sld [smem:$0x3FFE];
	_ =	sdelay $0x1  }
0x8a: {  	s1 =	srdreg.scid  }
0x8b: {  	s0 =	sand.u32 $0x1, s1  }
0x8c: {  	s17 =	sshll.u32 s0, $0xA;
	s2 =	sadd.s32 s3, s2  }
0x8d: {  	s2 =	sadd.s32 s2, s17  }
0x8e: {  	[smem:$0x3FC2] =	sst s2  }
0x8f: {  	_ = 	snop  }
0x90: {  	s2 =	sld [smem:$0x3FD0];
	(tm) =	ssettm $0x1  }
0x91: {  	s18 =	sld [smem:$0x3FFB];
	_ =	sdelay $0x3  }
0x92: {  	_ =	strace s18  }
0x93: {  	s3 =	sld [smem:$0x3FFC];
	_ =	sdelay $0x3  }
0x94: {  	_ =	strace s3  }
0x95: {  	s3 =	sld [smem:$0x3FFD];
	_ =	sdelay $0x3  }
0x96: {  	_ =	strace s3  }
0x97: {  	_ =	strace $0x8FFFFFFF  }
0x98: {  	s19 =	sld [smem:$0x3FDB];
	_ =	sdelay $0x1  }
0x99: {  	s4 =	simm.s32 $_scs_section_size  }
0x9a: {  	s5 =	simm.s32 $_size__tile_overlayer_lowered;
	s6 =	simm.s32 $_tile_overlayer_lowered  }
0x9b: {  	s22 =	simm.s32 $0x1BFF;
	s21 =	sshll.u32 s6, $0x1;
	s3 =	sadd.s32 s4, s19  }
0x9c: {  	s7 =	simm.s32 $0x0;
	s20 =	sshll.u32 s5, $0x1;
	s5 =	sadd.s32 s21, s3  }
0x9d: {  	[timem:s7], [sflag:s22] =	dma.local [hbm:s5], s20  }
0x9e: {  	_ =	swait.ge [sflag:s22], s20  }
0x9f: {  	s4 =	ssub.s32 $0x0, s20;
	[sflag:s22] =	ssyncset.done $0x0  }
0xa0: {  	[sflag:s22] =	ssyncadd.s32 s4;
	_ =	sdelay $0x1  }
0xa1: {  	s23 =	simm.s32 $0x1B8B  }
0xa2: {  	_ =	swait.ge [sflag:s23], $0x1  }
0xa3: {  	[sflag:s23] =	ssyncset.done $0x0  }
0xa4: {  	s25 =	simm.s32 $0x1B8E;
	s24 =	sld [smem:$0x3FFE];
	[sflag:s23] =	ssyncadd.s32 $0xFFFFFFFF  }
0xa5: {  	s26 =	simm.s32 $execute0_lowered;
	[smem:$0x3FD2] =	sst s25  }
0xa6: {  	s5 =	sshll.u32 s26, $0x1;
	_ =	strace $0x80000050;
	[dreg:$0x1] =	wrdreg $0xFFFFFFFF  }
0xa7: {  	s28 =	simm.s32 $_size_execute0_lowered;
	s3 =	sadd.s32 s3, s5;
	[dreg:$0x0] =	wrdreg $0x0  }
0xa8: {  	s5 =	sshll.u32 s28, $0x1;
	[dreg:$0x2] =	wrdreg s3  }
0xa9: {  	[dreg:$0x3] =	wrdreg s5  }
0xaa: {  	[dreg:$0x4] =	wrdreg $0xC0  }
0xab: {  	_ =	task [dreg:s7], $0x5FFFF  }
0xac: {  	[dreg:$0x1] =	wrdreg $0xFFFFFFFF  }
0xad: {  	[dreg:$0x0] =	wrdreg $0x60  }
0xae: {  	[dreg:$0x2] =	wrdreg s24  }
0xaf: {  	[dreg:$0x3] =	wrdreg s2  }
0xb0: {  	[dreg:$0x4] =	wrdreg $0x0  }
0xb1: {  	[dreg:$0x5] =	wrdreg $0x9  }
0xb2: {  	_ =	task.clear_ibuf [dreg:s7], $0x6FFFF;
	_ =	strace $0x90000050  }
0xb3: {  	s29 =	simm.s32 $0x9;
	_ =	strace $0x80000058  }
0xb4: {  	_ =	swait.ge [sflag:s29], $0x1  }
0xb5: {  	[sflag:s29] =	ssyncadd.s32 $0xFFFFFFFF  }
0xb6: {  	_ =	strace $0x90000058  }
0xb7: {  	_ =	sfence  }
0xb8: {  	s30 =	sld [smem:$0x0];
	_ =	sdelay $0x2  }
0xb9: {  	s31 =	sshll.u32 s1, $0xD;
	s1 =	sshrl.u32 s1, $0x2  }
0xba: {  	s3 =	sand.u32 $0x4000, s31;
	s1 =	sadd.s32 s1, s30  }
0xbb: {  	s0 =	sor.u32 s3, s0;
	s1 =	sshll.u32 s1, $0x11  }
0xbc: {  	s0 =	sor.u32 s1, s0  }
0xbd: {  	s0 =	sadd.s32 $0x8F2B, s0  }
0xbe: {  	[sflag:s0] =	ssyncadd.remote.s32 $0x1  }
0xbf: {  	_ =	sfence.sel $0xFFFF  }
0xc0: {  	[dreg:$0x0] =	wrdreg $0xFFFFFFFF;
	(pc) =	sbr.abs _section_cstart, $3  }
0xc1: {  	[dreg:$0x1] =	wrdreg $0xFFFFFFFF  }
0xc2: {  	_ =	task.clear_ibuf [dreg:s7], $0x2FFFF;
	_ =	strace $0x9FFFFFFF  }
0xc3: {  	(tm) =	ssettm $0x7FFFFFFF  }
tec
execute0_lowered:
.L_overlay_start_1:
0x0: {  	(tag) =	ssettag $0x1  }
0x1: {  	s7 =	rddreg [dreg:$0x0];
	s0 =	srdreg.scid  }
0x2: {  	s2 =	rddreg [dreg:$0x2];
	s30 =	stileid.u32  }
0x3: {  	s4 =	simm.s32 $0x0;
	s15 =	simm.s32 $0x1;
	s8 =	sand.u32 $0x1, s0  }
0x4: {  	[smem:$0x7FF] =	sst s4;
	s6 =	sadd.s32 $0xB5200, s7;
	s13 =	smul.u32 $0x2710, s30  }
0x5: {  	p0 =	sne.s32 s30, $0x0;
	s5 =	sshll.u32 s8, $0x4;
	s9 =	smul.u32 $0x4E20, s8  }
0x6: {  	_ =	strace $0x80000051;
	s8 =	ssub.s32 $0x2, s8;
	s10 =	sor.u32 s30, s5  }
0x7: {  	s5 =	sadd.s32 $0x2400, s7;
	s31 =	sshrl.u32 s8, $0x1;
	s17 =	sshrl.u32 s13, $0x3  }
0x8: {  	s18 =	sadd.s32 s13, s2;
	s13 =	simm.s32 $0x80;
	s11 =	smul.u32 $0x4F, s10  }
0x9: {  	s12 =	smul.u32 $0x4F00, s10;
	s9 =	sadd.s32 s9, s7;
	s14 =	ssub.s32 s8, s31  }
0xa: {  	s10 =	smul.u32 $0x4F0, s10;
	s16 =	sadd.s32 $0xA0400, s9;
	s9 =	smax.u32 s14, $0x1  }
0xb: {  	s14 =	simm.s32 $0x5;
	[dreg:$0x4] =	wrdreg s11;
	s1 =	sadd.s32 s5, s12  }
0xc: {  	s8 =	sadd.s32 s6, s10;
	s10 =	sshrl.u32 @!p0 s2, $0x3;
	s16 =	sadd.s32 s17, s16  }
0xd: {  	s17 =	sshrl.u32 s18, $0x3;
	s18 =	simm.s32 $0x0;
	[dreg:$0x5] =	wrdreg s1  }
.LBB2_1:
0xe: {  	s19 =	simm.s32 @!p0 $0x1C01;
	s0 =	rddreg [dreg:$0x1]  }
0xf: {  	[spmem:s10], [sflag:s19] =	dma.local @!p0 [hbm:s0], $0x4E20  }
0x10: {  	s19 =	simm.s32 @!p0 $0x1  }
0x11: {  	_ =	swait.ge @!p0 [sflag:s19], $0x4E20  }
0x12: {  	[sflag:s19] =	ssyncset.done @!p0 $0x0  }
0x13: {  	[sflag:s19] =	ssyncadd.s32 @!p0 $0xFFFFB1E0  }
0x14: {  	[bflag:$0x0] =	sbarrier.arrive $0xFFFF  }
0x15: {  	s1 =	simm.s32 $0x2710;
	_ =	strace $0x80000052  }
0x16: {  	p1 =	por $0x0, $0x0;
	s19 =	simm.s32 $0x1;
	s25 =	rddreg [dreg:$0x5]  }
0x17: {  	[tilespmem:s1], [sflag:$0x1] =	stream.linear.gather [hbm4b:s25+s4], $0x800, $0x200038;
	[tilespmem:$0x3810] =	vst v63  }
0x18: {  	s26 =	simm.s32 $0x3710;
	s19 =	simm.s32 @p1 $0x0  }
0x19: {  	[tilespmem:s26], [sflag:$0x3] =	stream.linear.gather [hbm4b:s8+s4], $0x80, $0x200038;
	[tilespmem:$0x3810] =	vst v63  }
0x1a: {  	p1 =	seq.s32 s19, $0x0;
	_ =	strace $0x90000052  }
0x1b: {  	s21 =	sand.u32 @!p1 $0x1, s15;
	s20 =	rddreg [dreg:$0x4]  }
0x1c: {  	s22 =	sshll.u32 @!p1 s21, $0xB;
	s20 =	sadd.s32 @!p1 s20, s19  }
0x1d: {  	s23 =	sshll.u32 @!p1 s21, $0x7;
	s25 =	simm.s32 @!p1 $0x0;
	s24 =	sshll.u32 @!p1 s20, $0x8  }
0x1e: {  	s22 =	sor.u32 @!p1 $0x2710, s22;
	s26 =	sadd.s32 @!p1 $0x1, s21;
	s24 =	sand.u32 @!p1 $0x1FFFFF00, s24  }
0x1f: {  	_ =	strace @!p1 $0x80000053;
	s20 =	sshll.u32 @!p1 s20, $0x4;
	s24 =	sadd.s32 @!p1 s5, s24  }
0x20: {  	[tilespmem:s22], [sflag:s26] =	stream.linear.gather @!p1 [hbm4b:s24+s25], $0x800, $0x200038;
	[tilespmem:$0x3810] =	vst v63  }
0x21: {  	s21 =	sadd.s32 @!p1 $0x3, s21;
	s20 =	sand.u32 @!p1 $0x1FFFFFF0, s20;
	_ =	strace @!p1 $0x90000053  }
0x22: {  	s20 =	sadd.s32 @!p1 s6, s20;
	s22 =	sor.u32 @!p1 $0x3710, s23;
	_ =	strace @!p1 $0x80000054  }
0x23: {  	[tilespmem:s22], [sflag:s21] =	stream.linear.gather @!p1 [hbm4b:s20+s25], $0x80, $0x200038;
	[tilespmem:$0x3810] =	vst v63  }
0x24: {  	s31 =	sand.u32 $0x1, s4;
	_ =	strace @!p1 $0x90000054  }
0x25: {  	s3 =	simm.s32 $0x0;
	s0 =	sadd.s32 $0x1, s31;
	_ =	strace $0x80000055  }
0x26: {  	s7 =	sadd.s32 $0x3, s31;
	p2 =	sne.s32 s19, $0x0;
	_ =	swait.ge [sflag:s0], $0x800  }
0x27: {  	s29 =	smov.u32 s19;
	s30 =	simm.s32 @!p1 $0x2;
	[sflag:s0] =	ssyncset.done $0x0  }
0x28: {  	s1 =	simm.s32 $0x0;
	s30 =	smov.u32 @p1 s15;
	[sflag:s0] =	ssyncadd.s32 $0xFFFFF800  }
0x29: {  	s23 =	sand.u32 $0x80, s3;
	s26 =	simm.s32 $0x4C;
	_ =	strace $0x90000055  }
0x2a: {  	s12 =	sor.u32 $0x3710, s23;
	s22 =	sand.u32 $0x800, s1;
	_ =	strace $0x80000056  }
0x2b: {  	s21 =	simm.s32 @!p1 $0x1;
	s20 =	simm.s32 $0x1;
	_ =	swait.ge [sflag:s7], $0x80  }
0x2c: {  	s21 =	simm.s32 @p1 $0x0;
	s20 =	simm.s32 @!p2 $0x0;
	[sflag:s7] =	ssyncset.done $0x0  }
0x2d: {  	s11 =	sor.u32 $0x2710, s22;
	s20 =	sadd.s32 $0x0, s20;
	[sflag:s7] =	ssyncadd.s32 $0xFFFFFF80  }
0x2e: {  	s25 =	sadd.s32 $0x1, s21;
	s28 =	sand.u32 $0x1, s20;
	_ =	strace $0x90000056  }
0x2f: {  	s24 =	sand.u32 $0x1, s20;
	s23 =	sshll.u32 s20, $0xB;
	_ =	strace $0x80000057  }
0x30: {  	[spmem:s2] =	stream.indirect.scatter.add.f32 [tilespmem:s11], [sflag:$0x5], $0x10, s12, s13, $0x2000b8;
	[tilespmem:$0x3810] =	vst v63  }
0x31: {  	s31 =	sshll.u32 s20, $0x7;
	s21 =	smov.u32 s20;
	_ =	swait.ge [sflag:s14], $0x800  }
0x32: {  	s22 =	sand.u32 $0x800, s23;
	s23 =	sand.u32 $0x80, s31;
	[sflag:s14] =	ssyncset.done $0x0  }
.LBB2_2:
0x33: {  	s19 =	sadd.s32 $0x1, s19  }
0x34: {  	[sflag:s14] =	ssyncadd.s32 $0xFFFFF800;
	p2 =	seq.s32 s19, $0x4F  }
0x35: {  	_ =	strace $0x90000057;
	s19 =	simm.s32 @p2 $0x0  }
0x36: {  	s31 =	smov.u32 s30;
	s30 =	rddreg [dreg:$0x4];
	p3 =	seq.s32 s29, s19  }
0x37: {  	p2 =	sne.s32 s29, s19;
	s29 =	sadd.s32 $0x1, s28;
	s28 =	sand.u32 @!p3 $0x1, s31  }
0x38: {  	s0 =	sand.u32 @!p3 $0x1, s25;
	s30 =	sadd.s32 @!p3 s30, s19;
	s7 =	simm.s32 @!p3 $0x0  }
0x39: {  	_ =	strace @!p3 $0x80000053;
	s11 =	sshll.u32 @!p3 s28, $0xB;
	s3 =	sshll.u32 @!p3 s30, $0x8  }
0x3a: {  	s12 =	sshll.u32 @!p3 s0, $0x7;
	s30 =	sshll.u32 @!p3 s30, $0x4;
	s3 =	sand.u32 @!p3 $0x1FFFFF00, s3  }
0x3b: {  	s28 =	sadd.s32 @!p3 $0x1, s28;
	s11 =	sor.u32 @!p3 $0x2710, s11;
	s3 =	sadd.s32 @!p3 s5, s3  }
0x3c: {  	[tilespmem:s11], [sflag:s28] =	stream.linear.gather @!p3 [hbm4b:s3+s7], $0x800, $0x200038;
	[tilespmem:$0x3810] =	vst v63  }
0x3d: {  	s0 =	sadd.s32 @!p3 $0x3, s0;
	s30 =	sand.u32 @!p3 $0x1FFFFFF0, s30;
	_ =	strace @!p3 $0x90000053  }
0x3e: {  	s3 =	sor.u32 @!p3 $0x3710, s12;
	s11 =	sadd.s32 @!p3 s6, s30;
	_ =	strace @!p3 $0x80000054  }
0x3f: {  	[tilespmem:s3], [sflag:s0] =	stream.linear.gather @!p3 [hbm4b:s11+s7], $0x80, $0x200038;
	[tilespmem:$0x3810] =	vst v63  }
0x40: {  	_ =	strace @!p3 $0x90000054  }
0x41: {  	s1 =	simm.s32 @!p3 $0x1;
	_ =	strace $0x80000055  }
0x42: {  	s26 =	sadd.s32 $0xFFFFFFFF, s26;
	s1 =	simm.s32 @p3 $0x0;
	_ =	swait.ge [sflag:s29], $0x800  }
0x43: {  	p1 =	sne.s32 s26, $0x0;
	s25 =	sadd.s32 s25, s1;
	[sflag:s29] =	ssyncset.done $0x0  }
0x44: {  	s30 =	sadd.s32 @!p3 $0x1, s31;
	s12 =	sor.u32 $0x2710, s22;
	[sflag:s29] =	ssyncadd.s32 $0xFFFFF800  }
0x45: {  	s30 =	smov.u32 @p3 s31;
	s0 =	simm.s32 $0x1;
	_ =	strace $0x90000055  }
0x46: {  	s11 =	sadd.s32 $0x3, s24;
	s0 =	simm.s32 @!p2 $0x0;
	_ =	strace $0x80000056  }
0x47: {  	s31 =	sor.u32 $0x3710, s23;
	s20 =	sadd.s32 s0, s20;
	_ =	swait.ge [sflag:s11], $0x80  }
0x48: {  	s21 =	sadd.s32 s0, s21;
	s28 =	sand.u32 $0x1, s20;
	[sflag:s11] =	ssyncset.done $0x0  }
0x49: {  	s0 =	sand.u32 $0x1, s21;
	s3 =	sshll.u32 s20, $0xB;
	[sflag:s11] =	ssyncadd.s32 $0xFFFFFF80  }
.Ltmp0:
0x4a: {  	s7 =	sshll.u32 s21, $0x7;
	_ =	strace $0x90000056;
	(pc) =	sbr.rel @p1 .LBB2_2-.Ltmp0, $4  }
0x4b: {  	s1 =	sand.u32 $0x800, s3;
	s3 =	sand.u32 $0x80, s7;
	_ =	strace $0x80000057  }
0x4c: {  	[spmem:s2] =	stream.indirect.scatter.add.f32 [tilespmem:s12], [sflag:$0x5], $0x10, s31, s13, $0x2000b8;
	[tilespmem:$0x3810] =	vst v63  }
0x4d: {  	s24 =	smov.u32 s0;
	s29 =	smov.u32 s19;
	_ =	swait.ge [sflag:s14], $0x800  }
0x4e: {  	s22 =	smov.u32 s1;
	s23 =	smov.u32 s3;
	[sflag:s14] =	ssyncset.done $0x0  }
0x4f: {  	s0 =	sadd.s32 $0x1, s19  }
0x50: {  	[sflag:s14] =	ssyncadd.s32 $0xFFFFF800;
	p1 =	seq.s32 s0, $0x4F  }
0x51: {  	_ =	strace $0x90000057;
	s0 =	simm.s32 @p1 $0x0  }
0x52: {  	s1 =	rddreg [dreg:$0x4];
	p1 =	seq.s32 s29, s0  }
0x53: {  	s3 =	sand.u32 @!p1 $0x1, s30;
	s1 =	sadd.s32 @!p1 s1, s0  }
0x54: {  	s12 =	simm.s32 @!p1 $0x0;
	_ =	strace @!p1 $0x80000053;
	s11 =	sshll.u32 @!p1 s1, $0x8  }
0x55: {  	s7 =	sshll.u32 @!p1 s3, $0xB;
	s3 =	sadd.s32 @!p1 $0x1, s3;
	s11 =	sand.u32 @!p1 $0x1FFFFF00, s11  }
0x56: {  	s1 =	sshll.u32 @!p1 s1, $0x4;
	s7 =	sor.u32 @!p1 $0x2710, s7;
	s11 =	sadd.s32 @!p1 s5, s11  }
0x57: {  	[tilespmem:s7], [sflag:s3] =	stream.linear.gather @!p1 [hbm4b:s11+s12], $0x800, $0x200038;
	[tilespmem:$0x3810] =	vst v63  }
0x58: {  	s1 =	sand.u32 @!p1 $0x1FFFFFF0, s1;
	s3 =	sand.u32 @!p1 $0x1, s25  }
0x59: {  	s1 =	sadd.s32 @!p1 s6, s1;
	s7 =	sshll.u32 @!p1 s3, $0x7;
	_ =	strace @!p1 $0x90000053  }
0x5a: {  	s3 =	sadd.s32 @!p1 $0x3, s3;
	s7 =	sor.u32 @!p1 $0x3710, s7;
	_ =	strace @!p1 $0x80000054  }
0x5b: {  	[tilespmem:s7], [sflag:s3] =	stream.linear.gather @!p1 [hbm4b:s1+s12], $0x80, $0x200038;
	[tilespmem:$0x3810] =	vst v63  }
0x5c: {  	_ =	strace @!p1 $0x90000054  }
0x5d: {  	s19 =	sadd.s32 $0x1, s28;
	_ =	strace $0x80000055  }
0x5e: {  	_ =	swait.ge [sflag:s19], $0x800  }
0x5f: {  	[sflag:s19] =	ssyncset.done $0x0  }
0x60: {  	[sflag:s19] =	ssyncadd.s32 $0xFFFFF800  }
0x61: {  	_ =	strace $0x90000055  }
0x62: {  	s24 =	sadd.s32 $0x3, s24;
	_ =	strace $0x80000056  }
0x63: {  	_ =	swait.ge [sflag:s24], $0x80  }
0x64: {  	[sflag:s24] =	ssyncset.done $0x0  }
0x65: {  	[sflag:s24] =	ssyncadd.s32 $0xFFFFFF80  }
0x66: {  	_ =	strace $0x90000056  }
0x67: {  	s26 =	sor.u32 $0x3710, s23;
	s25 =	sor.u32 $0x2710, s22;
	_ =	strace $0x80000057  }
0x68: {  	[spmem:s2] =	stream.indirect.scatter.add.f32 [tilespmem:s25], [sflag:$0x5], $0x10, s26, s13, $0x2000b8;
	[tilespmem:$0x3810] =	vst v63  }
0x69: {  	p1 =	sne.s32 s29, s0;
	s0 =	simm.s32 $0x1;
	_ =	swait.ge [sflag:s14], $0x800  }
0x6a: {  	s0 =	simm.s32 @!p1 $0x0;
	[sflag:s14] =	ssyncset.done $0x0  }
0x6b: {  	s28 =	sadd.s32 s0, s20;
	[sflag:s14] =	ssyncadd.s32 $0xFFFFF800  }
0x6c: {  	s29 =	sand.u32 $0x1, s28;
	_ =	strace $0x90000057  }
0x6d: {  	s3 =	sadd.s32 $0x1, s29;
	_ =	strace $0x80000055  }
0x6e: {  	_ =	swait.ge [sflag:s3], $0x800  }
0x6f: {  	[sflag:s3] =	ssyncset.done $0x0  }
0x70: {  	s0 =	sadd.s32 s0, s21;
	[sflag:s3] =	ssyncadd.s32 $0xFFFFF800  }
0x71: {  	s30 =	sand.u32 $0x1, s0;
	_ =	strace $0x90000055  }
0x72: {  	s3 =	sadd.s32 $0x3, s30;
	_ =	strace $0x80000056  }
0x73: {  	_ =	swait.ge [sflag:s3], $0x80  }
0x74: {  	[sflag:s3] =	ssyncset.done $0x0  }
0x75: {  	s1 =	sshll.u32 s28, $0xB;
	s0 =	sshll.u32 s0, $0x7;
	[sflag:s3] =	ssyncadd.s32 $0xFFFFFF80  }
0x76: {  	s1 =	sand.u32 $0x800, s1;
	s0 =	sand.u32 $0x80, s0;
	_ =	strace $0x90000056  }
0x77: {  	s1 =	sor.u32 $0x2710, s1;
	s0 =	sor.u32 $0x3710, s0;
	_ =	strace $0x80000057  }
0x78: {  	[spmem:s2] =	stream.indirect.scatter.add.f32 [tilespmem:s1], [sflag:$0x5], $0x10, s0, s13, $0x2000b8;
	[tilespmem:$0x3810] =	vst v63  }
0x79: {  	_ =	swait.ge [sflag:s14], $0x800  }
0x7a: {  	[sflag:s14] =	ssyncset.done $0x0  }
0x7b: {  	s31 =	stileid.u32;
	s18 =	sadd.s32 $0x1, s18;
	[sflag:s14] =	ssyncadd.s32 $0xFFFFF800  }
0x7c: {  	p1 =	sne.s32 s18, s9;
	s0 =	sshll.u32 s31, $0x6;
	_ =	strace $0x90000057  }
.Ltmp1:
0x7d: {  	s0 =	sor.u32 $0x1C01, s0;
	[bflag:$0x0] =	sbarrier.arrive $0xFFFF;
	(pc) =	sbr.rel @p1 .LBB2_1-.Ltmp1, $4  }
0x7e: {  	[hbm:s16], [sflag:s0] =	dma.local [spmem:s17], $0x4E2  }
0x7f: {  	_ =	swait.ge [sflag:s15], $0x4E2  }
0x80: {  	[sflag:s15] =	ssyncset.done $0x0  }
0x81: {  	[sflag:s15] =	ssyncadd.s32 $0xFFFFFB1E  }
0x82: {  	_ =	sfence.sel $0x180000  }
0x83: {  	[bflag:$0x0] =	sbarrier.arrive $0xFFFF  }
0x84: {  	_ =	strace $0x90000051  }
0x85: {  	[bflag:$0x2] =	sbarrier.arrive $0xFFFF  }
0x86: {  	s0 =	rddreg [dreg:$0x3]  }
0x87: {  	s0 =	sadd.s32 @!p0 $0x100000, s0  }
0x88: {  	[sflag:s0] =	ssyncadd.tile.s32 @!p0 $0x1;
	_ =	shalt  }
.Lfunc_end2:
_tile_overlayer_lowered:
.L_overlay_start_2:
0x89: {  	(tag) =	ssettag $0x2  }
0x8a: {  	s0 =	rddreg [dreg:$0x0];
	s2 =	stileid.u32  }
0x8b: {  	s1 =	rddreg [dreg:$0x1];
	p0 =	sne.s32 s2, $0x0  }
0x8c: {  	s3 =	rddreg [dreg:$0x2];
	[bflag:$0x3] =	sbarrier.arrive $0xFFFF;
	s2 =	simm.s32 @!p0 $0x1C01  }
0x8d: {  	[timem:s3], [sflag:s2] =	dma.local @!p0 [hbm:s0], s1  }
0x8e: {  	s0 =	simm.s32 @!p0 $0x1  }
0x8f: {  	_ =	swait.ge @!p0 [sflag:s0], s1  }
0x90: {  	s1 =	ssub.s32 @!p0 $0x0, s1;
	[sflag:s0] =	ssyncset.done @!p0 $0x0  }
0x91: {  	[sflag:s0] =	ssyncadd.s32 @!p0 s1  }
0x92: {  	[bflag:$0x3] =	sbarrier.arrive $0xFFFF  }
0x93: {  	_ =	shalt  }

</sc_bundles>
